<compile_context>
chip_gen: v7x
topology: tpu7x:2x2x1
jax: 0.10.2.dev20260603
libtpu: 0.0.44.dev20260713+nightly
codegen_flags: <defaults>
</compile_context>

<pallas_src>
import functools

import jax
import jax.numpy as jnp
from jax import lax
from jax.experimental import pallas as pl
from jax.experimental.pallas import tpu as pltpu
from jax.experimental.pallas import tpu_sc as plsc

_B, _N, _K, _C, _D = 2, 512, 16, 512, 256
_NC, _NS = 2, 16
_NW = _NC * _NS
_TI = 128
_CH = 64
_NB = 3
_TW = 3 * _D // 2

_F32 = jnp.float32
_C11 = (((1,), (1,)), ((), ()))


def _pack_bf16_pair(a, b):
    ua = lax.bitcast_convert_type(a, jnp.uint32)
    ub = lax.bitcast_convert_type(b, jnp.uint32)
    ua = ua + (jnp.uint32(0x7FFF) + ((ua >> 16) & jnp.uint32(1)))
    ub = ub + (jnp.uint32(0x7FFF) + ((ub >> 16) & jnp.uint32(1)))
    packed = (ua & jnp.uint32(0xFFFF0000)) | (ub >> 16)
    return lax.bitcast_convert_type(packed, _F32)


def _unpack_bf16_pair(p):
    up = lax.bitcast_convert_type(p, jnp.uint32)
    a = lax.bitcast_convert_type(up & jnp.uint32(0xFFFF0000), _F32)
    b = lax.bitcast_convert_type(up << 16, _F32)
    return a, b


def _stage_a1_body(f_ref, Wfc1_ref, bfc1_ref, Wfb1_ref, Wks_ref, Wvs_ref,
                   idx_ref, T_ref, Tbf_ref, x_ref):
    f = f_ref[0]
    m = lax.dot_general(f, f, (((0,), (0,)), ((), ())))
    xx = jnp.sum(f * f, axis=0, keepdims=True)
    inner = -2.0 * m
    p = (-xx) - inner
    iota = lax.broadcasted_iota(jnp.int32, (1, _N), 1)
    cols = []
    for _ in range(_K):
        mx = jnp.max(p, axis=1, keepdims=True)
        sel = jnp.min(jnp.where(p == mx, iota, _N), axis=1, keepdims=True)
        cols.append(sel)
        p = jnp.where(iota == sel, -jnp.inf, p)
    idx = jnp.concatenate(cols, axis=1)
    idx_ref[0] = idx + pl.program_id(0) * _N

    Wfb1 = Wfb1_ref[...]
    Wa = Wfb1[:, :_C]
    cN1 = (((0,), (1,)), ((), ()))
    x = lax.dot_general(f, Wfc1_ref[...], cN1) + bfc1_ref[...]
    pa = lax.dot_general(f, Wa, cN1)
    k_ = lax.dot_general(x, Wks_ref[...], _C11)
    v = lax.dot_general(x, Wvs_ref[...], _C11)
    T = jnp.concatenate([pa, k_, v], axis=1)
    T_ref[0] = _pack_bf16_pair(T[:, :_TW], T[:, _TW:])
    Tbf_ref[0] = T.astype(jnp.bfloat16)
    x_ref[0] = x


def _stage_a1(features, W_fc1, b_fc1, W_fb1, W_ks, W_vs, interpret=False):
    def wspec(shape):
        return pl.BlockSpec(shape, lambda b: (0,) * len(shape))

    return pl.pallas_call(
        _stage_a1_body,
        grid=(_B,),
        in_specs=[
            pl.BlockSpec((1, _C, _N), lambda b: (b, 0, 0)),
            wspec((_D, _C)), wspec((1, _D)), wspec((_D, 2 * _C)),
            wspec((_D, _D)), wspec((_D, _D)),
        ],
        out_specs=[
            pl.BlockSpec((1, _N, _K), lambda b: (b, 0, 0)),
            pl.BlockSpec((1, _N, _TW), lambda b: (b, 0, 0)),
            pl.BlockSpec((1, _N, 3 * _D), lambda b: (b, 0, 0)),
            pl.BlockSpec((1, _N, _D), lambda b: (b, 0, 0)),
        ],
        out_shape=[
            jax.ShapeDtypeStruct((_B, _N, _K), jnp.int32),
            jax.ShapeDtypeStruct((_B, _N, _TW), _F32),
            jax.ShapeDtypeStruct((_B, _N, 3 * _D), jnp.bfloat16),
            jax.ShapeDtypeStruct((_B, _N, _D), _F32),
        ],
        interpret=interpret,
    )(features, W_fc1, b_fc1.reshape(1, _D), W_fb1, W_ks, W_vs)


def _stage_a2_body(f_ref, x_ref, Wfb1_ref, Wqs_ref, q_ref, pd_ref):
    f = f_ref[0]
    x = x_ref[0]
    Wfb1 = Wfb1_ref[...]
    Wd = Wfb1[:, _C:] - Wfb1[:, :_C]
    cN1 = (((0,), (1,)), ((), ()))
    pd_ref[0] = lax.dot_general(f, Wd, cN1)
    q_ref[0] = lax.dot_general(x, Wqs_ref[...], _C11)


def _stage_a2(features, x, W_fb1, W_qs, interpret=False):
    def wspec(shape):
        return pl.BlockSpec(shape, lambda b: (0,) * len(shape))

    return pl.pallas_call(
        _stage_a2_body,
        grid=(_B,),
        in_specs=[
            pl.BlockSpec((1, _C, _N), lambda b: (b, 0, 0)),
            pl.BlockSpec((1, _N, _D), lambda b: (b, 0, 0)),
            wspec((_D, 2 * _C)), wspec((_D, _D)),
        ],
        out_specs=[
            pl.BlockSpec((1, _N, _D), lambda b: (b, 0, 0)),
            pl.BlockSpec((1, _N, _D), lambda b: (b, 0, 0)),
        ],
        out_shape=[
            jax.ShapeDtypeStruct((_B, _N, _D), _F32),
            jax.ShapeDtypeStruct((_B, _N, _D), _F32),
        ],
        interpret=interpret,
    )(features, x, W_fb1, W_qs)


def _sc_gather(table, idx2d):
    nrows = idx2d.shape[0] * idx2d.shape[1]
    per_w = nrows // _NW
    nch = per_w // _CH
    mesh = plsc.VectorSubcoreMesh(core_axis_name="c", subcore_axis_name="s")

    @functools.partial(
        pl.kernel, mesh=mesh,
        out_type=jax.ShapeDtypeStruct((nrows, _TW), _F32),
        scratch_types=[
            pltpu.VMEM((nch, _CH), jnp.int32),
            pltpu.VMEM((_NB, _CH, _TW), _F32),
        ] + [pltpu.SemaphoreType.DMA] * _NB,
    )
    def gk(table_hbm, idx_hbm, out_hbm, idx_v, rows_v, *sems):
        wid = lax.axis_index("s") * _NC + lax.axis_index("c")
        base = wid * per_w
        pltpu.sync_copy(idx_hbm.at[pl.ds(wid * nch, nch)], idx_v)
        cps = [None] * _NB
        for c in range(min(_NB - 1, nch)):
            cps[c] = pltpu.async_copy(table_hbm.at[idx_v.at[c]],
                                      rows_v.at[c], sems[c])
        for c in range(nch):
            p = c % _NB
            cn = c + _NB - 1
            if cn < nch:
                pn = cn % _NB
                cps[pn] = pltpu.async_copy(table_hbm.at[idx_v.at[cn]],
                                           rows_v.at[pn], sems[pn])
            cps[p].wait()
            pltpu.sync_copy(rows_v.at[p], out_hbm.at[pl.ds(base + c * _CH,
                                                           _CH)])

    return gk(table, idx2d)


def _tail(res1, xr, Wfc2, bfc2, bng, bnb, Wqk, Wv, bv, Wt, bt, abng, abnb):
    y = lax.dot_general(res1, Wfc2, _C11) + bfc2
    m1 = jnp.mean(y, axis=0, keepdims=True)
    v1 = jnp.mean((y - m1) ** 2, axis=0, keepdims=True)
    res = jnp.maximum(bng * (y - m1) * lax.rsqrt(v1 + 1e-5) + bnb, 0.0) + xr
    trs = []
    for b in range(_B):
        rb = res[b * _N:(b + 1) * _N]
        xq = lax.dot_general(rb, Wqk, _C11)
        e = lax.dot_general(xq, xq, _C11)
        ee = jnp.exp(e - jnp.max(e, axis=1, keepdims=True))
        att = ee / jnp.sum(ee, axis=1, keepdims=True)
        att = att / (1e-9 + jnp.sum(att, axis=0, keepdims=True))
        xv = lax.dot_general(rb, Wv, _C11) + bv
        x_r = lax.dot_general(att, xv, (((0,), (0,)), ((), ())))
        trs.append(lax.dot_general(rb - x_r, Wt, _C11) + bt)
    tr = jnp.concatenate(trs, axis=0)
    m2 = jnp.mean(tr, axis=0, keepdims=True)
    v2 = jnp.mean((tr - m2) ** 2, axis=0, keepdims=True)
    xr2 = jnp.maximum(abng * (tr - m2) * lax.rsqrt(v2 + 1e-5) + abnb, 0.0)
    return res + xr2


def _edge_mlp(G, pd_ref, q_ref, Wfb2_ref, bfb1_ref, bfb2_ref, Wg1_ref,
              bg1_ref, Wg2_ref, bg2_ref):
    pd = pd_ref[...]
    q = q_ref[...]
    pd_b = jnp.broadcast_to(pd[:, None, :], (_TI, _K, _D)).reshape(_TI * _K,
                                                                   _D)
    q_b = jnp.broadcast_to(q[:, None, :], (_TI, _K, _D)).reshape(_TI * _K, _D)
    bf = jnp.bfloat16
    h1 = jnp.maximum(G[:, :_D] + pd_b + bfb1_ref[...], 0.0)
    kf = lax.dot_general(h1.astype(bf), Wfb2_ref[...].astype(bf), _C11,
                         preferred_element_type=_F32) + bfb2_ref[...]
    t = q_b - G[:, _D:2 * _D] + kf
    g1 = jnp.maximum(
        lax.dot_general(t.astype(bf), Wg1_ref[...].astype(bf), _C11,
                        preferred_element_type=_F32) + bg1_ref[...], 0.0)
    araw = lax.dot_general(g1.astype(bf), Wg2_ref[...].astype(bf), _C11,
                           preferred_element_type=_F32) + bg2_ref[...]
    s = (araw * (1.0 / 16.0)).reshape(_TI, _K, _D)
    mx = jnp.max(s, axis=1, keepdims=True)
    sh = s - mx
    attn = sh - jnp.log(jnp.sum(jnp.exp(sh), axis=1, keepdims=True))
    vkf = (G[:, 2 * _D:] + kf).reshape(_TI, _K, _D)
    return attn.reshape(1, _TI, _K, _D), jnp.sum(attn * vkf, axis=1)


def _stage_c0_body(idx_ref, Tbf_ref, pd_ref, q_ref, Wfb2_ref, bfb1_ref,
                   bfb2_ref, Wg1_ref, bg1_ref, Wg2_ref, bg2_ref, attn_ref,
                   res1_ref):
    idxb = idx_ref[0]
    oh = (idxb[:, :, None] ==
          lax.broadcasted_iota(jnp.int32, (1, 1, _N), 2))
    oh2 = oh.astype(jnp.bfloat16).reshape(_TI * _K, _N)
    Goh = lax.dot_general(oh2, Tbf_ref[0], (((1,), (0,)), ((), ())),
                          preferred_element_type=_F32)
    attn4, res1 = _edge_mlp(Goh, pd_ref, q_ref, Wfb2_ref, bfb1_ref,
                            bfb2_ref, Wg1_ref, bg1_ref, Wg2_ref, bg2_ref)
    attn_ref[...] = attn4
    res1_ref[...] = res1


def _stage_c1_body(attn_in_ref, G_ref, pd_ref, q_ref, x_ref, res10_ref,
                   Wfb2_ref, bfb1_ref, bfb2_ref, Wg1_ref, bg1_ref, Wg2_ref,
                   bg2_ref, Wfc2_ref, bfc2_ref, bng_ref, bnb_ref, Wqk_ref,
                   Wv_ref, bv_ref, Wt_ref, bt_ref, abng_ref, abnb_ref,
                   attn_ref, out_ref, acc_ref):
    del attn_in_ref
    p = pl.program_id(0)
    nb = _N // _TI
    ghi, glo = _unpack_bf16_pair(G_ref[...])
    Gsc = jnp.concatenate([ghi, glo], axis=1)
    attn4, res1 = _edge_mlp(Gsc, pd_ref, q_ref, Wfb2_ref, bfb1_ref,
                            bfb2_ref, Wg1_ref, bg1_ref, Wg2_ref, bg2_ref)
    attn_ref[...] = attn4
    acc_ref[pl.ds(p * _TI, _TI), :] = res1

    @pl.when(p == nb - 1)
    def _():
        r1 = jnp.concatenate([res10_ref[...], acc_ref[...]], axis=0)
        out_ref[...] = _tail(
            r1, x_ref[...], Wfc2_ref[...], bfc2_ref[...],
            bng_ref[...], bnb_ref[...], Wqk_ref[...], Wv_ref[...],
            bv_ref[...], Wt_ref[...], bt_ref[...], abng_ref[...],
            abnb_ref[...]).reshape(_B, _N, _D)


def _stage_c0(idx, Tbf, pd, q, W_fb2, b_fb1, b_fb2, W_g1, b_g1, W_g2, b_g2,
              interpret=False):
    nb = _N // _TI

    def wspec(shape):
        return pl.BlockSpec(shape, lambda p: (0,) * len(shape))

    return pl.pallas_call(
        _stage_c0_body,
        grid=(nb,),
        in_specs=[
            pl.BlockSpec((1, _TI, _K), lambda p: (0, p, 0)),
            pl.BlockSpec((1, _N, 3 * _D), lambda p: (0, 0, 0)),
            pl.BlockSpec((_TI, _D), lambda p: (p, 0)),
            pl.BlockSpec((_TI, _D), lambda p: (p, 0)),
            wspec((_D, _D)), wspec((1, _D)), wspec((1, _D)),
            wspec((_D, _D)), wspec((1, _D)),
            wspec((_D, _D)), wspec((1, _D)),
        ],
        out_specs=[
            pl.BlockSpec((1, _TI, _K, _D), lambda p: (0, p, 0, 0)),
            pl.BlockSpec((_TI, _D), lambda p: (p, 0)),
        ],
        out_shape=[
            jax.ShapeDtypeStruct((_B, _N, _K, _D), _F32),
            jax.ShapeDtypeStruct((_N, _D), _F32),
        ],
        interpret=interpret,
    )(idx, Tbf, pd, q, W_fb2, b_fb1.reshape(1, _D), b_fb2.reshape(1, _D),
      W_g1, b_g1.reshape(1, _D), W_g2, b_g2.reshape(1, _D))


def _stage_c1(attn0, G, pd, q, x, res10, W_fb2, b_fb1, b_fb2, W_g1, b_g1,
              W_g2, b_g2, W_fc2, b_fc2, bn_g, bn_b, W_qk, W_v, b_v, W_t,
              b_t, abn_g, abn_b, interpret=False):
    nb = _N // _TI

    def wspec(shape):
        return pl.BlockSpec(shape, lambda p: (0,) * len(shape))

    return pl.pallas_call(
        _stage_c1_body,
        grid=(nb,),
        in_specs=[
            pl.BlockSpec(memory_space=pl.ANY),
            pl.BlockSpec((_TI * _K, _TW), lambda p: (p, 0)),
            pl.BlockSpec((_TI, _D), lambda p: (p + nb, 0)),
            pl.BlockSpec((_TI, _D), lambda p: (p + nb, 0)),
            wspec((_B * _N, _D)),
            wspec((_N, _D)),
            wspec((_D, _D)), wspec((1, _D)), wspec((1, _D)),
            wspec((_D, _D)), wspec((1, _D)),
            wspec((_D, _D)), wspec((1, _D)),
            wspec((_D, _D)), wspec((1, _D)), wspec((1, _D)), wspec((1, _D)),
            wspec((_D // 4, _D)),
            wspec((_D, _D)), wspec((1, _D)),
            wspec((_D, _D)), wspec((1, _D)), wspec((1, _D)), wspec((1, _D)),
        ],
        out_specs=[
            pl.BlockSpec((1, _TI, _K, _D), lambda p: (1, p, 0, 0)),
            wspec((_B, _N, _D)),
        ],
        out_shape=[
            jax.ShapeDtypeStruct((_B, _N, _K, _D), _F32),
            jax.ShapeDtypeStruct((_B, _N, _D), _F32),
        ],
        scratch_shapes=[pltpu.VMEM((_N, _D), _F32)],
        input_output_aliases={0: 0},
        interpret=interpret,
    )(attn0, G, pd, q, x, res10, W_fb2, b_fb1.reshape(1, _D),
      b_fb2.reshape(1, _D),
      W_g1, b_g1.reshape(1, _D), W_g2, b_g2.reshape(1, _D),
      W_fc2, b_fc2.reshape(1, _D), bn_g.reshape(1, _D), bn_b.reshape(1, _D),
      W_qk, W_v, b_v.reshape(1, _D), W_t, b_t.reshape(1, _D),
      abn_g.reshape(1, _D), abn_b.reshape(1, _D))


def kernel(features, W_fc1, b_fc1, W_fc2, b_fc2, bn_g, bn_b, W_fb1, b_fb1,
           W_fb2, b_fb2, W_g1, b_g1, W_g2, b_g2, W_qs, W_ks, W_vs, W_qk,
           W_v, b_v, W_t, b_t, abn_g, abn_b):
    idxf, T, Tbf, x = _stage_a1(features, W_fc1, b_fc1, W_fb1, W_ks, W_vs)
    G1 = _sc_gather(T.reshape(_B * _N, _TW),
                    idxf[1].reshape(_N * _K // _CH, _CH))
    q, pd = _stage_a2(features, x, W_fb1, W_qs)
    pdf = pd.reshape(_B * _N, _D)
    qf = q.reshape(_B * _N, _D)
    attn0, res10 = _stage_c0(idxf, Tbf, pdf, qf, W_fb2, b_fb1, b_fb2,
                             W_g1, b_g1, W_g2, b_g2)
    attnf, out = _stage_c1(attn0, G1, pdf, qf, x.reshape(_B * _N, _D),
                           res10, W_fb2, b_fb1, b_fb2, W_g1, b_g1, W_g2,
                           b_g2, W_fc2, b_fc2, bn_g, bn_b, W_qk, W_v, b_v,
                           W_t, b_t, abn_g, abn_b)
    return out, attnf

# --- scband reference (transcript-rebuilt; emitter-appended) ---
"""Pipeline reference for scband-gt-87625922773239 (READ-ONLY COPY).

The authoritative reference and input builder live on the scoring server;
editing this copy changes nothing except your own understanding.
"""

import jax, jax.numpy as jnp
import numpy as np

B = 2
D_POINTS = 512
D_MODEL = 256
K = 16


def _lin(x, W, b=None):
    y = x @ W.T
    if b is not None:
        y = y + b
    return y


def index_points(points, idx):
    bidx = jnp.arange(points.shape[0]).reshape((-1,) + (1,) * (idx.ndim - 1))
    return points[bidx, idx]


def knn(x, k):
    inner = -2.0 * jnp.matmul(jnp.swapaxes(x, 2, 1), x)
    xx = jnp.sum(x ** 2, axis=1, keepdims=True)
    pairwise = -xx - inner - jnp.swapaxes(xx, 2, 1)
    return jax.lax.top_k(pairwise, k)[1]


def get_graph_feature(x, k):
    bs = x.shape[0]
    num_points = x.shape[1]
    x = x.reshape(bs, -1, num_points)
    idx = knn(x, k)
    idx2 = idx
    num_dims = x.shape[1]
    xt = jnp.swapaxes(x, 2, 1).reshape(bs * num_points, -1)
    idx_base = (jnp.arange(bs) * num_points).reshape(-1, 1, 1)
    idx1 = (idx + idx_base).reshape(-1)
    feature = xt[idx1].reshape(bs, num_points, k, num_dims)
    xe = jnp.swapaxes(x, 2, 1).reshape(bs, num_points, 1, num_dims)
    xe = jnp.broadcast_to(xe, (bs, num_points, k, num_dims))
    feature = jnp.transpose(jnp.concatenate([feature - xe, xe], axis=3), (0, 3, 1, 2))
    return feature, idx2


def batchnorm1d(x, g, b, eps=1e-5):
    m = jnp.mean(x, axis=(0, 2), keepdims=True)
    v = jnp.var(x, axis=(0, 2), keepdims=True)
    return g[None, :, None] * (x - m) * jax.lax.rsqrt(v + eps) + b[None, :, None]


def setup_inputs(seed: int = 0):
    key = jax.random.key(seed)

    def w(i, shape, scale=0.05):
        return jax.random.normal(jax.random.fold_in(key, i), shape, dtype=jnp.float32) * scale

    inp = {}
    inp['features'] = jax.random.normal(jax.random.fold_in(key, 0), (B, D_POINTS, D_POINTS), dtype=jnp.float32)
    inp['W_fc1'] = w(1, (D_MODEL, D_POINTS))
    inp['b_fc1'] = w(2, (D_MODEL,))
    inp['W_fc2'] = w(3, (D_MODEL, D_MODEL))
    inp['b_fc2'] = w(4, (D_MODEL,))
    inp['bn_g'] = jnp.ones((D_MODEL,), dtype=jnp.float32)
    inp['bn_b'] = jnp.zeros((D_MODEL,), dtype=jnp.float32)
    inp['W_fb1'] = w(5, (D_MODEL, 2 * D_POINTS))
    inp['b_fb1'] = w(6, (D_MODEL,))
    inp['W_fb2'] = w(7, (D_MODEL, D_MODEL))
    inp['b_fb2'] = w(8, (D_MODEL,))
    inp['W_g1'] = w(9, (D_MODEL, D_MODEL))
    inp['b_g1'] = w(10, (D_MODEL,))
    inp['W_g2'] = w(11, (D_MODEL, D_MODEL))
    inp['b_g2'] = w(12, (D_MODEL,))
    inp['W_qs'] = w(13, (D_MODEL, D_MODEL))
    inp['W_ks'] = w(14, (D_MODEL, D_MODEL))
    inp['W_vs'] = w(15, (D_MODEL, D_MODEL))
    inp['W_qk'] = w(16, (D_MODEL // 4, D_MODEL))
    inp['W_v'] = w(17, (D_MODEL, D_MODEL))
    inp['b_v'] = w(18, (D_MODEL,))
    inp['W_t'] = w(19, (D_MODEL, D_MODEL))
    inp['b_t'] = w(20, (D_MODEL,))
    inp['abn_g'] = jnp.ones((D_MODEL,), dtype=jnp.float32)
    inp['abn_b'] = jnp.zeros((D_MODEL,), dtype=jnp.float32)
    return inp


def reference(features, W_fc1, b_fc1, W_fc2, b_fc2, bn_g, bn_b, W_fb1, b_fb1, W_fb2, b_fb2, W_g1, b_g1, W_g2, b_g2, W_qs, W_ks, W_vs, W_qk, W_v, b_v, W_t, b_t, abn_g, abn_b):
    knn_features, knn_idx = get_graph_feature(features, K)
    feats = jnp.swapaxes(features, 2, 1)
    knn_features = jnp.transpose(knn_features, (0, 2, 3, 1))
    kf = _lin(jax.nn.relu(_lin(knn_features, W_fb1, b_fb1)), W_fb2, b_fb2)
    x = _lin(feats, W_fc1, b_fc1)
    k_ = _lin(x, W_ks)
    v = _lin(x, W_vs)
    q = _lin(x, W_qs)
    k_ = index_points(k_, knn_idx)
    v = index_points(v, knn_idx)
    attn = _lin(jax.nn.relu(_lin(q[:, :, None, :] - k_ + kf, W_g1, b_g1)), W_g2, b_g2)
    attn = jax.nn.log_softmax(attn / np.sqrt(k_.shape[-1]), axis=-2)
    res = jnp.einsum('bmnf,bmnf->bmf', attn, v + kf)
    res = jax.nn.relu(batchnorm1d(jnp.swapaxes(_lin(res, W_fc2, b_fc2), 2, 1), bn_g, bn_b)) + jnp.swapaxes(x, 2, 1)
    x_q = jnp.swapaxes(jnp.einsum('oc,bcn->bon', W_qk, res), 2, 1)
    x_k = jnp.einsum('oc,bcn->bon', W_qk, res)
    x_v = jnp.einsum('oc,bcn->bon', W_v, res) + b_v[None, :, None]
    energy = jnp.matmul(x_q, x_k)
    attention = jax.nn.softmax(energy, axis=-1)
    asum = 1e-9 + jnp.sum(attention, axis=1, keepdims=True)
    attention = attention / asum
    x_r = jnp.matmul(x_v, attention)
    tr = jnp.einsum('oc,bcn->bon', W_t, res - x_r) + b_t[None, :, None]
    x_r = jax.nn.relu(batchnorm1d(tr, abn_g, abn_b))
    res = res + x_r
    res = jnp.swapaxes(res, 2, 1)
    return res, attn

if __name__ == "__main__":
    import jax
    _d = setup_inputs()
    print(jax.jit(kernel)(*tuple(_d.values())))

</pallas_src>

<mosaic_0001>
#map = affine_map<(d0, d1) -> (0, 0)>
module attributes {stable_mosaic.version = 14 : i64} {
  func.func @gk(%arg0: i32, %arg1: i32, %arg2: memref<1024x384xf32, #tpu.memory_space<hbm>>, %arg3: memref<128x64xi32, #tpu.memory_space<hbm>>, %arg4: memref<8192x384xf32, #tpu.memory_space<hbm>>, %arg5: memref<4x64xi32, #tpu.memory_space<vmem>>, %arg6: memref<3x64x384xf32, #tpu.memory_space<vmem>>, %arg7: memref<!tpu.dma_semaphore, #tpu.memory_space<semaphore_mem>>, %arg8: memref<!tpu.dma_semaphore, #tpu.memory_space<semaphore_mem>>, %arg9: memref<!tpu.dma_semaphore, #tpu.memory_space<semaphore_mem>>) attributes {dimension_semantics = [#tpu.dimension_semantics<core_parallel>, #tpu.dimension_semantics<subcore_parallel>], iteration_bounds = array<i64: 2, 16>, scalar_prefetch = 0 : i64, scratch_operands = 5 : i64, tpu.core_type = #tpu.core_type<sc_vector_subcore>, window_params = [{transform_indices = #map}, {transform_indices = #map}, {transform_indices = #map}]} {
    %mul3A = arith.constant 2 : i32
    %mul3A_0 = arith.muli %arg1, %mul3A : i32
    %add3A = arith.addi %mul3A_0, %arg0 : i32
    %mul3A_1 = arith.constant 256 : i32
    %mul3A_2 = arith.muli %add3A, %mul3A_1 : i32
    %mul3A_3 = arith.constant 4 : i32
    %mul3A_4 = arith.muli %add3A, %mul3A_3 : i32
    "tpu.region"() ({
      %run_scoped3A_110 = tpu.sem_alloc : memref<!tpu.dma_semaphore, #tpu.memory_space<semaphore_mem>>
      %dma_start3A_111 = arith.constant 0 : i32
      %dma_start3A_112 = tpu.memref_slice %arg3[%mul3A_4, %dma_start3A_111] : memref<128x64xi32, #tpu.memory_space<hbm>> -> memref<4x64xi32, #tpu.memory_space<hbm>>
      %dma_start3A_113 = arith.constant 0 : i32
      %dma_start3A_114 = tpu.memref_slice %arg3[%mul3A_4, %dma_start3A_113] : memref<128x64xi32, #tpu.memory_space<hbm>> -> memref<4x64xi32, #tpu.memory_space<hbm>>
      tpu.enqueue_dma source(%dma_start3A_114 : memref<4x64xi32, #tpu.memory_space<hbm>>) target(%arg5 : memref<4x64xi32, #tpu.memory_space<vmem>>) target_semaphore(%run_scoped3A_110 : memref<!tpu.dma_semaphore, #tpu.memory_space<semaphore_mem>>)
      %dma_wait3A_115 = arith.constant 0 : i32
      %dma_wait3A_116 = tpu.memref_slice %arg3[%mul3A_4, %dma_wait3A_115] : memref<128x64xi32, #tpu.memory_space<hbm>> -> memref<4x64xi32, #tpu.memory_space<hbm>>
      %dma_wait3A_117 = arith.constant 0 : i32
      %dma_wait3A_118 = tpu.memref_slice %arg3[%mul3A_4, %dma_wait3A_117] : memref<128x64xi32, #tpu.memory_space<hbm>> -> memref<4x64xi32, #tpu.memory_space<hbm>>
      tpu.wait_dma2 semaphore(%run_scoped3A_110 : memref<!tpu.dma_semaphore, #tpu.memory_space<semaphore_mem>>) src(%dma_wait3A_118 : memref<4x64xi32, #tpu.memory_space<hbm>>) dst(%arg5 : memref<4x64xi32, #tpu.memory_space<vmem>>)
      tpu.yield
    }) : () -> ()
    %dma_start3A = arith.constant 0 : i32
    %dma_start3A_5 = arith.constant 0 : i32
    %dma_start3A_6 = arith.constant 0 : i32
    %dma_start3A_7 = arith.constant 0 : i32
    %dma_start3A_8 = tpu.memref_slice %arg6[%dma_start3A_5, %dma_start3A_6, %dma_start3A_7] : memref<3x64x384xf32, #tpu.memory_space<vmem>> -> memref<1x64x384xf32, #tpu.memory_space<vmem>>
    %dma_start3A_9 = tpu.memref_squeeze %dma_start3A_8 : memref<1x64x384xf32, #tpu.memory_space<vmem>> -> memref<64x384xf32, #tpu.memory_space<vmem>>
    %dma_start3A_10 = arith.constant 0 : i32
    %dma_start3A_11 = tpu.memref_slice %arg5[%dma_start3A, %dma_start3A_10] : memref<4x64xi32, #tpu.memory_space<vmem>> -> memref<1x64xi32, #tpu.memory_space<vmem>>
    %dma_start3A_12 = tpu.memref_squeeze %dma_start3A_11 : memref<1x64xi32, #tpu.memory_space<vmem>> -> memref<64xi32, #tpu.memory_space<vmem>>
    %dma_start3A_13 = arith.constant 0 : i32
    %dma_start3A_14 = arith.constant 0 : i32
    %dma_start3A_15 = tpu.memref_slice %arg2[%dma_start3A_13, %dma_start3A_14] : memref<1024x384xf32, #tpu.memory_space<hbm>> -> memref<1024x384xf32, #tpu.memory_space<hbm>>
    tpu.enqueue_indirect_dma source(%dma_start3A_15 : memref<1024x384xf32, #tpu.memory_space<hbm>>) target(%dma_start3A_9 : memref<64x384xf32, #tpu.memory_space<vmem>>) offsets(%dma_start3A_12 : memref<64xi32, #tpu.memory_space<vmem>>) semaphore(%arg7 : memref<!tpu.dma_semaphore, #tpu.memory_space<semaphore_mem>>)
    %dma_start3A_16 = arith.constant 1 : i32
    %dma_start3A_17 = arith.constant 1 : i32
    %dma_start3A_18 = arith.constant 0 : i32
    %dma_start3A_19 = arith.constant 0 : i32
    %dma_start3A_20 = tpu.memref_slice %arg6[%dma_start3A_17, %dma_start3A_18, %dma_start3A_19] : memref<3x64x384xf32, #tpu.memory_space<vmem>> -> memref<1x64x384xf32, #tpu.memory_space<vmem>>
    %dma_start3A_21 = tpu.memref_squeeze %dma_start3A_20 : memref<1x64x384xf32, #tpu.memory_space<vmem>> -> memref<64x384xf32, #tpu.memory_space<vmem>>
    %dma_start3A_22 = arith.constant 0 : i32
    %dma_start3A_23 = tpu.memref_slice %arg5[%dma_start3A_16, %dma_start3A_22] : memref<4x64xi32, #tpu.memory_space<vmem>> -> memref<1x64xi32, #tpu.memory_space<vmem>>
    %dma_start3A_24 = tpu.memref_squeeze %dma_start3A_23 : memref<1x64xi32, #tpu.memory_space<vmem>> -> memref<64xi32, #tpu.memory_space<vmem>>
    %dma_start3A_25 = arith.constant 0 : i32
    %dma_start3A_26 = arith.constant 0 : i32
    %dma_start3A_27 = tpu.memref_slice %arg2[%dma_start3A_25, %dma_start3A_26] : memref<1024x384xf32, #tpu.memory_space<hbm>> -> memref<1024x384xf32, #tpu.memory_space<hbm>>
    tpu.enqueue_indirect_dma source(%dma_start3A_27 : memref<1024x384xf32, #tpu.memory_space<hbm>>) target(%dma_start3A_21 : memref<64x384xf32, #tpu.memory_space<vmem>>) offsets(%dma_start3A_24 : memref<64xi32, #tpu.memory_space<vmem>>) semaphore(%arg8 : memref<!tpu.dma_semaphore, #tpu.memory_space<semaphore_mem>>)
    %dma_start3A_28 = arith.constant 2 : i32
    %dma_start3A_29 = arith.constant 2 : i32
    %dma_start3A_30 = arith.constant 0 : i32
    %dma_start3A_31 = arith.constant 0 : i32
    %dma_start3A_32 = tpu.memref_slice %arg6[%dma_start3A_29, %dma_start3A_30, %dma_start3A_31] : memref<3x64x384xf32, #tpu.memory_space<vmem>> -> memref<1x64x384xf32, #tpu.memory_space<vmem>>
    %dma_start3A_33 = tpu.memref_squeeze %dma_start3A_32 : memref<1x64x384xf32, #tpu.memory_space<vmem>> -> memref<64x384xf32, #tpu.memory_space<vmem>>
    %dma_start3A_34 = arith.constant 0 : i32
    %dma_start3A_35 = tpu.memref_slice %arg5[%dma_start3A_28, %dma_start3A_34] : memref<4x64xi32, #tpu.memory_space<vmem>> -> memref<1x64xi32, #tpu.memory_space<vmem>>
    %dma_start3A_36 = tpu.memref_squeeze %dma_start3A_35 : memref<1x64xi32, #tpu.memory_space<vmem>> -> memref<64xi32, #tpu.memory_space<vmem>>
    %dma_start3A_37 = arith.constant 0 : i32
    %dma_start3A_38 = arith.constant 0 : i32
    %dma_start3A_39 = tpu.memref_slice %arg2[%dma_start3A_37, %dma_start3A_38] : memref<1024x384xf32, #tpu.memory_space<hbm>> -> memref<1024x384xf32, #tpu.memory_space<hbm>>
    tpu.enqueue_indirect_dma source(%dma_start3A_39 : memref<1024x384xf32, #tpu.memory_space<hbm>>) target(%dma_start3A_33 : memref<64x384xf32, #tpu.memory_space<vmem>>) offsets(%dma_start3A_36 : memref<64xi32, #tpu.memory_space<vmem>>) semaphore(%arg9 : memref<!tpu.dma_semaphore, #tpu.memory_space<semaphore_mem>>)
    %dma_wait3A = arith.constant 0 : i32
    %dma_wait3A_40 = arith.constant 0 : i32
    %dma_wait3A_41 = arith.constant 0 : i32
    %dma_wait3A_42 = arith.constant 0 : i32
    %dma_wait3A_43 = tpu.memref_slice %arg6[%dma_wait3A_40, %dma_wait3A_41, %dma_wait3A_42] : memref<3x64x384xf32, #tpu.memory_space<vmem>> -> memref<1x64x384xf32, #tpu.memory_space<vmem>>
    %dma_wait3A_44 = tpu.memref_squeeze %dma_wait3A_43 : memref<1x64x384xf32, #tpu.memory_space<vmem>> -> memref<64x384xf32, #tpu.memory_space<vmem>>
    %dma_wait3A_45 = arith.constant 0 : i32
    %dma_wait3A_46 = tpu.memref_slice %arg5[%dma_wait3A, %dma_wait3A_45] : memref<4x64xi32, #tpu.memory_space<vmem>> -> memref<1x64xi32, #tpu.memory_space<vmem>>
    %dma_wait3A_47 = tpu.memref_squeeze %dma_wait3A_46 : memref<1x64xi32, #tpu.memory_space<vmem>> -> memref<64xi32, #tpu.memory_space<vmem>>
    %dma_wait3A_48 = arith.constant 0 : i32
    %dma_wait3A_49 = arith.constant 0 : i32
    %dma_wait3A_50 = tpu.memref_slice %arg2[%dma_wait3A_48, %dma_wait3A_49] : memref<1024x384xf32, #tpu.memory_space<hbm>> -> memref<1024x384xf32, #tpu.memory_space<hbm>>
    tpu.wait_indirect_dma semaphore(%arg7 : memref<!tpu.dma_semaphore, #tpu.memory_space<semaphore_mem>>) src(%dma_wait3A_50 : memref<1024x384xf32, #tpu.memory_space<hbm>>) dst(%dma_wait3A_44 : memref<64x384xf32, #tpu.memory_space<vmem>>)
    %add3A_51 = arith.constant 0 : i32
    %add3A_52 = arith.addi %mul3A_2, %add3A_51 : i32
    %run_scoped3A = arith.constant 0 : i32
    "tpu.region"() ({
      %run_scoped3A_110 = tpu.sem_alloc : memref<!tpu.dma_semaphore, #tpu.memory_space<semaphore_mem>>
      %dma_start3A_111 = arith.constant 0 : i32
      %dma_start3A_112 = arith.constant 0 : i32
      %dma_start3A_113 = tpu.memref_slice %arg6[%run_scoped3A, %dma_start3A_111, %dma_start3A_112] : memref<3x64x384xf32, #tpu.memory_space<vmem>> -> memref<1x64x384xf32, #tpu.memory_space<vmem>>
      %dma_start3A_114 = tpu.memref_squeeze %dma_start3A_113 : memref<1x64x384xf32, #tpu.memory_space<vmem>> -> memref<64x384xf32, #tpu.memory_space<vmem>>
      %dma_start3A_115 = arith.constant 0 : i32
      %dma_start3A_116 = tpu.memref_slice %arg4[%add3A_52, %dma_start3A_115] : memref<8192x384xf32, #tpu.memory_space<hbm>> -> memref<64x384xf32, #tpu.memory_space<hbm>>
      %dma_start3A_117 = arith.constant 0 : i32
      %dma_start3A_118 = tpu.memref_slice %arg4[%add3A_52, %dma_start3A_117] : memref<8192x384xf32, #tpu.memory_space<hbm>> -> memref<64x384xf32, #tpu.memory_space<hbm>>
      %dma_start3A_119 = arith.constant 0 : i32
      %dma_start3A_120 = arith.constant 0 : i32
      %dma_start3A_121 = tpu.memref_slice %arg6[%run_scoped3A, %dma_start3A_119, %dma_start3A_120] : memref<3x64x384xf32, #tpu.memory_space<vmem>> -> memref<1x64x384xf32, #tpu.memory_space<vmem>>
      %dma_start3A_122 = tpu.memref_squeeze %dma_start3A_121 : memref<1x64x384xf32, #tpu.memory_space<vmem>> -> memref<64x384xf32, #tpu.memory_space<vmem>>
      tpu.enqueue_dma source(%dma_start3A_122 : memref<64x384xf32, #tpu.memory_space<vmem>>) target(%dma_start3A_118 : memref<64x384xf32, #tpu.memory_space<hbm>>) target_semaphore(%run_scoped3A_110 : memref<!tpu.dma_semaphore, #tpu.memory_space<semaphore_mem>>)
      %dma_wait3A_123 = arith.constant 0 : i32
      %dma_wait3A_124 = arith.constant 0 : i32
      %dma_wait3A_125 = tpu.memref_slice %arg6[%run_scoped3A, %dma_wait3A_123, %dma_wait3A_124] : memref<3x64x384xf32, #tpu.memory_space<vmem>> -> memref<1x64x384xf32, #tpu.memory_space<vmem>>
      %dma_wait3A_126 = tpu.memref_squeeze %dma_wait3A_125 : memref<1x64x384xf32, #tpu.memory_space<vmem>> -> memref<64x384xf32, #tpu.memory_space<vmem>>
      %dma_wait3A_127 = arith.constant 0 : i32
      %dma_wait3A_128 = tpu.memref_slice %arg4[%add3A_52, %dma_wait3A_127] : memref<8192x384xf32, #tpu.memory_space<hbm>> -> memref<64x384xf32, #tpu.memory_space<hbm>>
      %dma_wait3A_129 = arith.constant 0 : i32
      %dma_wait3A_130 = tpu.memref_slice %arg4[%add3A_52, %dma_wait3A_129] : memref<8192x384xf32, #tpu.memory_space<hbm>> -> memref<64x384xf32, #tpu.memory_space<hbm>>
      %dma_wait3A_131 = arith.constant 0 : i32
      %dma_wait3A_132 = arith.constant 0 : i32
      %dma_wait3A_133 = tpu.memref_slice %arg6[%run_scoped3A, %dma_wait3A_131, %dma_wait3A_132] : memref<3x64x384xf32, #tpu.memory_space<vmem>> -> memref<1x64x384xf32, #tpu.memory_space<vmem>>
      %dma_wait3A_134 = tpu.memref_squeeze %dma_wait3A_133 : memref<1x64x384xf32, #tpu.memory_space<vmem>> -> memref<64x384xf32, #tpu.memory_space<vmem>>
      tpu.wait_dma2 semaphore(%run_scoped3A_110 : memref<!tpu.dma_semaphore, #tpu.memory_space<semaphore_mem>>) src(%dma_wait3A_134 : memref<64x384xf32, #tpu.memory_space<vmem>>) dst(%dma_wait3A_130 : memref<64x384xf32, #tpu.memory_space<hbm>>)
      tpu.yield
    }) : () -> ()
    %dma_start3A_53 = arith.constant 3 : i32
    %dma_start3A_54 = arith.constant 0 : i32
    %dma_start3A_55 = arith.constant 0 : i32
    %dma_start3A_56 = arith.constant 0 : i32
    %dma_start3A_57 = tpu.memref_slice %arg6[%dma_start3A_54, %dma_start3A_55, %dma_start3A_56] : memref<3x64x384xf32, #tpu.memory_space<vmem>> -> memref<1x64x384xf32, #tpu.memory_space<vmem>>
    %dma_start3A_58 = tpu.memref_squeeze %dma_start3A_57 : memref<1x64x384xf32, #tpu.memory_space<vmem>> -> memref<64x384xf32, #tpu.memory_space<vmem>>
    %dma_start3A_59 = arith.constant 0 : i32
    %dma_start3A_60 = tpu.memref_slice %arg5[%dma_start3A_53, %dma_start3A_59] : memref<4x64xi32, #tpu.memory_space<vmem>> -> memref<1x64xi32, #tpu.memory_space<vmem>>
    %dma_start3A_61 = tpu.memref_squeeze %dma_start3A_60 : memref<1x64xi32, #tpu.memory_space<vmem>> -> memref<64xi32, #tpu.memory_space<vmem>>
    %dma_start3A_62 = arith.constant 0 : i32
    %dma_start3A_63 = arith.constant 0 : i32
    %dma_start3A_64 = tpu.memref_slice %arg2[%dma_start3A_62, %dma_start3A_63] : memref<1024x384xf32, #tpu.memory_space<hbm>> -> memref<1024x384xf32, #tpu.memory_space<hbm>>
    tpu.enqueue_indirect_dma source(%dma_start3A_64 : memref<1024x384xf32, #tpu.memory_space<hbm>>) target(%dma_start3A_58 : memref<64x384xf32, #tpu.memory_space<vmem>>) offsets(%dma_start3A_61 : memref<64xi32, #tpu.memory_space<vmem>>) semaphore(%arg7 : memref<!tpu.dma_semaphore, #tpu.memory_space<semaphore_mem>>)
    %dma_wait3A_65 = arith.constant 1 : i32
    %dma_wait3A_66 = arith.constant 1 : i32
    %dma_wait3A_67 = arith.constant 0 : i32
    %dma_wait3A_68 = arith.constant 0 : i32
    %dma_wait3A_69 = tpu.memref_slice %arg6[%dma_wait3A_66, %dma_wait3A_67, %dma_wait3A_68] : memref<3x64x384xf32, #tpu.memory_space<vmem>> -> memref<1x64x384xf32, #tpu.memory_space<vmem>>
    %dma_wait3A_70 = tpu.memref_squeeze %dma_wait3A_69 : memref<1x64x384xf32, #tpu.memory_space<vmem>> -> memref<64x384xf32, #tpu.memory_space<vmem>>
    %dma_wait3A_71 = arith.constant 0 : i32
    %dma_wait3A_72 = tpu.memref_slice %arg5[%dma_wait3A_65, %dma_wait3A_71] : memref<4x64xi32, #tpu.memory_space<vmem>> -> memref<1x64xi32, #tpu.memory_space<vmem>>
    %dma_wait3A_73 = tpu.memref_squeeze %dma_wait3A_72 : memref<1x64xi32, #tpu.memory_space<vmem>> -> memref<64xi32, #tpu.memory_space<vmem>>
    %dma_wait3A_74 = arith.constant 0 : i32
    %dma_wait3A_75 = arith.constant 0 : i32
    %dma_wait3A_76 = tpu.memref_slice %arg2[%dma_wait3A_74, %dma_wait3A_75] : memref<1024x384xf32, #tpu.memory_space<hbm>> -> memref<1024x384xf32, #tpu.memory_space<hbm>>
    tpu.wait_indirect_dma semaphore(%arg8 : memref<!tpu.dma_semaphore, #tpu.memory_space<semaphore_mem>>) src(%dma_wait3A_76 : memref<1024x384xf32, #tpu.memory_space<hbm>>) dst(%dma_wait3A_70 : memref<64x384xf32, #tpu.memory_space<vmem>>)
    %add3A_77 = arith.constant 64 : i32
    %add3A_78 = arith.addi %mul3A_2, %add3A_77 : i32
    %run_scoped3A_79 = arith.constant 1 : i32
    "tpu.region"() ({
      %run_scoped3A_110 = tpu.sem_alloc : memref<!tpu.dma_semaphore, #tpu.memory_space<semaphore_mem>>
      %dma_start3A_111 = arith.constant 0 : i32
      %dma_start3A_112 = arith.constant 0 : i32
      %dma_start3A_113 = tpu.memref_slice %arg6[%run_scoped3A_79, %dma_start3A_111, %dma_start3A_112] : memref<3x64x384xf32, #tpu.memory_space<vmem>> -> memref<1x64x384xf32, #tpu.memory_space<vmem>>
      %dma_start3A_114 = tpu.memref_squeeze %dma_start3A_113 : memref<1x64x384xf32, #tpu.memory_space<vmem>> -> memref<64x384xf32, #tpu.memory_space<vmem>>
      %dma_start3A_115 = arith.constant 0 : i32
      %dma_start3A_116 = tpu.memref_slice %arg4[%add3A_78, %dma_start3A_115] : memref<8192x384xf32, #tpu.memory_space<hbm>> -> memref<64x384xf32, #tpu.memory_space<hbm>>
      %dma_start3A_117 = arith.constant 0 : i32
      %dma_start3A_118 = tpu.memref_slice %arg4[%add3A_78, %dma_start3A_117] : memref<8192x384xf32, #tpu.memory_space<hbm>> -> memref<64x384xf32, #tpu.memory_space<hbm>>
      %dma_start3A_119 = arith.constant 0 : i32
      %dma_start3A_120 = arith.constant 0 : i32
      %dma_start3A_121 = tpu.memref_slice %arg6[%run_scoped3A_79, %dma_start3A_119, %dma_start3A_120] : memref<3x64x384xf32, #tpu.memory_space<vmem>> -> memref<1x64x384xf32, #tpu.memory_space<vmem>>
      %dma_start3A_122 = tpu.memref_squeeze %dma_start3A_121 : memref<1x64x384xf32, #tpu.memory_space<vmem>> -> memref<64x384xf32, #tpu.memory_space<vmem>>
      tpu.enqueue_dma source(%dma_start3A_122 : memref<64x384xf32, #tpu.memory_space<vmem>>) target(%dma_start3A_118 : memref<64x384xf32, #tpu.memory_space<hbm>>) target_semaphore(%run_scoped3A_110 : memref<!tpu.dma_semaphore, #tpu.memory_space<semaphore_mem>>)
      %dma_wait3A_123 = arith.constant 0 : i32
      %dma_wait3A_124 = arith.constant 0 : i32
      %dma_wait3A_125 = tpu.memref_slice %arg6[%run_scoped3A_79, %dma_wait3A_123, %dma_wait3A_124] : memref<3x64x384xf32, #tpu.memory_space<vmem>> -> memref<1x64x384xf32, #tpu.memory_space<vmem>>
      %dma_wait3A_126 = tpu.memref_squeeze %dma_wait3A_125 : memref<1x64x384xf32, #tpu.memory_space<vmem>> -> memref<64x384xf32, #tpu.memory_space<vmem>>
      %dma_wait3A_127 = arith.constant 0 : i32
      %dma_wait3A_128 = tpu.memref_slice %arg4[%add3A_78, %dma_wait3A_127] : memref<8192x384xf32, #tpu.memory_space<hbm>> -> memref<64x384xf32, #tpu.memory_space<hbm>>
      %dma_wait3A_129 = arith.constant 0 : i32
      %dma_wait3A_130 = tpu.memref_slice %arg4[%add3A_78, %dma_wait3A_129] : memref<8192x384xf32, #tpu.memory_space<hbm>> -> memref<64x384xf32, #tpu.memory_space<hbm>>
      %dma_wait3A_131 = arith.constant 0 : i32
      %dma_wait3A_132 = arith.constant 0 : i32
      %dma_wait3A_133 = tpu.memref_slice %arg6[%run_scoped3A_79, %dma_wait3A_131, %dma_wait3A_132] : memref<3x64x384xf32, #tpu.memory_space<vmem>> -> memref<1x64x384xf32, #tpu.memory_space<vmem>>
      %dma_wait3A_134 = tpu.memref_squeeze %dma_wait3A_133 : memref<1x64x384xf32, #tpu.memory_space<vmem>> -> memref<64x384xf32, #tpu.memory_space<vmem>>
      tpu.wait_dma2 semaphore(%run_scoped3A_110 : memref<!tpu.dma_semaphore, #tpu.memory_space<semaphore_mem>>) src(%dma_wait3A_134 : memref<64x384xf32, #tpu.memory_space<vmem>>) dst(%dma_wait3A_130 : memref<64x384xf32, #tpu.memory_space<hbm>>)
      tpu.yield
    }) : () -> ()
    %dma_wait3A_80 = arith.constant 2 : i32
    %dma_wait3A_81 = arith.constant 2 : i32
    %dma_wait3A_82 = arith.constant 0 : i32
    %dma_wait3A_83 = arith.constant 0 : i32
    %dma_wait3A_84 = tpu.memref_slice %arg6[%dma_wait3A_81, %dma_wait3A_82, %dma_wait3A_83] : memref<3x64x384xf32, #tpu.memory_space<vmem>> -> memref<1x64x384xf32, #tpu.memory_space<vmem>>
    %dma_wait3A_85 = tpu.memref_squeeze %dma_wait3A_84 : memref<1x64x384xf32, #tpu.memory_space<vmem>> -> memref<64x384xf32, #tpu.memory_space<vmem>>
    %dma_wait3A_86 = arith.constant 0 : i32
    %dma_wait3A_87 = tpu.memref_slice %arg5[%dma_wait3A_80, %dma_wait3A_86] : memref<4x64xi32, #tpu.memory_space<vmem>> -> memref<1x64xi32, #tpu.memory_space<vmem>>
    %dma_wait3A_88 = tpu.memref_squeeze %dma_wait3A_87 : memref<1x64xi32, #tpu.memory_space<vmem>> -> memref<64xi32, #tpu.memory_space<vmem>>
    %dma_wait3A_89 = arith.constant 0 : i32
    %dma_wait3A_90 = arith.constant 0 : i32
    %dma_wait3A_91 = tpu.memref_slice %arg2[%dma_wait3A_89, %dma_wait3A_90] : memref<1024x384xf32, #tpu.memory_space<hbm>> -> memref<1024x384xf32, #tpu.memory_space<hbm>>
    tpu.wait_indirect_dma semaphore(%arg9 : memref<!tpu.dma_semaphore, #tpu.memory_space<semaphore_mem>>) src(%dma_wait3A_91 : memref<1024x384xf32, #tpu.memory_space<hbm>>) dst(%dma_wait3A_85 : memref<64x384xf32, #tpu.memory_space<vmem>>)
    %add3A_92 = arith.constant 128 : i32
    %add3A_93 = arith.addi %mul3A_2, %add3A_92 : i32
    %run_scoped3A_94 = arith.constant 2 : i32
    "tpu.region"() ({
      %run_scoped3A_110 = tpu.sem_alloc : memref<!tpu.dma_semaphore, #tpu.memory_space<semaphore_mem>>
      %dma_start3A_111 = arith.constant 0 : i32
      %dma_start3A_112 = arith.constant 0 : i32
      %dma_start3A_113 = tpu.memref_slice %arg6[%run_scoped3A_94, %dma_start3A_111, %dma_start3A_112] : memref<3x64x384xf32, #tpu.memory_space<vmem>> -> memref<1x64x384xf32, #tpu.memory_space<vmem>>
      %dma_start3A_114 = tpu.memref_squeeze %dma_start3A_113 : memref<1x64x384xf32, #tpu.memory_space<vmem>> -> memref<64x384xf32, #tpu.memory_space<vmem>>
      %dma_start3A_115 = arith.constant 0 : i32
      %dma_start3A_116 = tpu.memref_slice %arg4[%add3A_93, %dma_start3A_115] : memref<8192x384xf32, #tpu.memory_space<hbm>> -> memref<64x384xf32, #tpu.memory_space<hbm>>
      %dma_start3A_117 = arith.constant 0 : i32
      %dma_start3A_118 = tpu.memref_slice %arg4[%add3A_93, %dma_start3A_117] : memref<8192x384xf32, #tpu.memory_space<hbm>> -> memref<64x384xf32, #tpu.memory_space<hbm>>
      %dma_start3A_119 = arith.constant 0 : i32
      %dma_start3A_120 = arith.constant 0 : i32
      %dma_start3A_121 = tpu.memref_slice %arg6[%run_scoped3A_94, %dma_start3A_119, %dma_start3A_120] : memref<3x64x384xf32, #tpu.memory_space<vmem>> -> memref<1x64x384xf32, #tpu.memory_space<vmem>>
      %dma_start3A_122 = tpu.memref_squeeze %dma_start3A_121 : memref<1x64x384xf32, #tpu.memory_space<vmem>> -> memref<64x384xf32, #tpu.memory_space<vmem>>
      tpu.enqueue_dma source(%dma_start3A_122 : memref<64x384xf32, #tpu.memory_space<vmem>>) target(%dma_start3A_118 : memref<64x384xf32, #tpu.memory_space<hbm>>) target_semaphore(%run_scoped3A_110 : memref<!tpu.dma_semaphore, #tpu.memory_space<semaphore_mem>>)
      %dma_wait3A_123 = arith.constant 0 : i32
      %dma_wait3A_124 = arith.constant 0 : i32
      %dma_wait3A_125 = tpu.memref_slice %arg6[%run_scoped3A_94, %dma_wait3A_123, %dma_wait3A_124] : memref<3x64x384xf32, #tpu.memory_space<vmem>> -> memref<1x64x384xf32, #tpu.memory_space<vmem>>
      %dma_wait3A_126 = tpu.memref_squeeze %dma_wait3A_125 : memref<1x64x384xf32, #tpu.memory_space<vmem>> -> memref<64x384xf32, #tpu.memory_space<vmem>>
      %dma_wait3A_127 = arith.constant 0 : i32
      %dma_wait3A_128 = tpu.memref_slice %arg4[%add3A_93, %dma_wait3A_127] : memref<8192x384xf32, #tpu.memory_space<hbm>> -> memref<64x384xf32, #tpu.memory_space<hbm>>
      %dma_wait3A_129 = arith.constant 0 : i32
      %dma_wait3A_130 = tpu.memref_slice %arg4[%add3A_93, %dma_wait3A_129] : memref<8192x384xf32, #tpu.memory_space<hbm>> -> memref<64x384xf32, #tpu.memory_space<hbm>>
      %dma_wait3A_131 = arith.constant 0 : i32
      %dma_wait3A_132 = arith.constant 0 : i32
      %dma_wait3A_133 = tpu.memref_slice %arg6[%run_scoped3A_94, %dma_wait3A_131, %dma_wait3A_132] : memref<3x64x384xf32, #tpu.memory_space<vmem>> -> memref<1x64x384xf32, #tpu.memory_space<vmem>>
      %dma_wait3A_134 = tpu.memref_squeeze %dma_wait3A_133 : memref<1x64x384xf32, #tpu.memory_space<vmem>> -> memref<64x384xf32, #tpu.memory_space<vmem>>
      tpu.wait_dma2 semaphore(%run_scoped3A_110 : memref<!tpu.dma_semaphore, #tpu.memory_space<semaphore_mem>>) src(%dma_wait3A_134 : memref<64x384xf32, #tpu.memory_space<vmem>>) dst(%dma_wait3A_130 : memref<64x384xf32, #tpu.memory_space<hbm>>)
      tpu.yield
    }) : () -> ()
    %dma_wait3A_95 = arith.constant 3 : i32
    %dma_wait3A_96 = arith.constant 0 : i32
    %dma_wait3A_97 = arith.constant 0 : i32
    %dma_wait3A_98 = arith.constant 0 : i32
    %dma_wait3A_99 = tpu.memref_slice %arg6[%dma_wait3A_96, %dma_wait3A_97, %dma_wait3A_98] : memref<3x64x384xf32, #tpu.memory_space<vmem>> -> memref<1x64x384xf32, #tpu.memory_space<vmem>>
    %dma_wait3A_100 = tpu.memref_squeeze %dma_wait3A_99 : memref<1x64x384xf32, #tpu.memory_space<vmem>> -> memref<64x384xf32, #tpu.memory_space<vmem>>
    %dma_wait3A_101 = arith.constant 0 : i32
    %dma_wait3A_102 = tpu.memref_slice %arg5[%dma_wait3A_95, %dma_wait3A_101] : memref<4x64xi32, #tpu.memory_space<vmem>> -> memref<1x64xi32, #tpu.memory_space<vmem>>
    %dma_wait3A_103 = tpu.memref_squeeze %dma_wait3A_102 : memref<1x64xi32, #tpu.memory_space<vmem>> -> memref<64xi32, #tpu.memory_space<vmem>>
    %dma_wait3A_104 = arith.constant 0 : i32
    %dma_wait3A_105 = arith.constant 0 : i32
    %dma_wait3A_106 = tpu.memref_slice %arg2[%dma_wait3A_104, %dma_wait3A_105] : memref<1024x384xf32, #tpu.memory_space<hbm>> -> memref<1024x384xf32, #tpu.memory_space<hbm>>
    tpu.wait_indirect_dma semaphore(%arg7 : memref<!tpu.dma_semaphore, #tpu.memory_space<semaphore_mem>>) src(%dma_wait3A_106 : memref<1024x384xf32, #tpu.memory_space<hbm>>) dst(%dma_wait3A_100 : memref<64x384xf32, #tpu.memory_space<vmem>>)
    %add3A_107 = arith.constant 192 : i32
    %add3A_108 = arith.addi %mul3A_2, %add3A_107 : i32
    %run_scoped3A_109 = arith.constant 0 : i32
    "tpu.region"() ({
      %run_scoped3A_110 = tpu.sem_alloc : memref<!tpu.dma_semaphore, #tpu.memory_space<semaphore_mem>>
      %dma_start3A_111 = arith.constant 0 : i32
      %dma_start3A_112 = arith.constant 0 : i32
      %dma_start3A_113 = tpu.memref_slice %arg6[%run_scoped3A_109, %dma_start3A_111, %dma_start3A_112] : memref<3x64x384xf32, #tpu.memory_space<vmem>> -> memref<1x64x384xf32, #tpu.memory_space<vmem>>
      %dma_start3A_114 = tpu.memref_squeeze %dma_start3A_113 : memref<1x64x384xf32, #tpu.memory_space<vmem>> -> memref<64x384xf32, #tpu.memory_space<vmem>>
      %dma_start3A_115 = arith.constant 0 : i32
      %dma_start3A_116 = tpu.memref_slice %arg4[%add3A_108, %dma_start3A_115] : memref<8192x384xf32, #tpu.memory_space<hbm>> -> memref<64x384xf32, #tpu.memory_space<hbm>>
      %dma_start3A_117 = arith.constant 0 : i32
      %dma_start3A_118 = tpu.memref_slice %arg4[%add3A_108, %dma_start3A_117] : memref<8192x384xf32, #tpu.memory_space<hbm>> -> memref<64x384xf32, #tpu.memory_space<hbm>>
      %dma_start3A_119 = arith.constant 0 : i32
      %dma_start3A_120 = arith.constant 0 : i32
      %dma_start3A_121 = tpu.memref_slice %arg6[%run_scoped3A_109, %dma_start3A_119, %dma_start3A_120] : memref<3x64x384xf32, #tpu.memory_space<vmem>> -> memref<1x64x384xf32, #tpu.memory_space<vmem>>
      %dma_start3A_122 = tpu.memref_squeeze %dma_start3A_121 : memref<1x64x384xf32, #tpu.memory_space<vmem>> -> memref<64x384xf32, #tpu.memory_space<vmem>>
      tpu.enqueue_dma source(%dma_start3A_122 : memref<64x384xf32, #tpu.memory_space<vmem>>) target(%dma_start3A_118 : memref<64x384xf32, #tpu.memory_space<hbm>>) target_semaphore(%run_scoped3A_110 : memref<!tpu.dma_semaphore, #tpu.memory_space<semaphore_mem>>)
      %dma_wait3A_123 = arith.constant 0 : i32
      %dma_wait3A_124 = arith.constant 0 : i32
      %dma_wait3A_125 = tpu.memref_slice %arg6[%run_scoped3A_109, %dma_wait3A_123, %dma_wait3A_124] : memref<3x64x384xf32, #tpu.memory_space<vmem>> -> memref<1x64x384xf32, #tpu.memory_space<vmem>>
      %dma_wait3A_126 = tpu.memref_squeeze %dma_wait3A_125 : memref<1x64x384xf32, #tpu.memory_space<vmem>> -> memref<64x384xf32, #tpu.memory_space<vmem>>
      %dma_wait3A_127 = arith.constant 0 : i32
      %dma_wait3A_128 = tpu.memref_slice %arg4[%add3A_108, %dma_wait3A_127] : memref<8192x384xf32, #tpu.memory_space<hbm>> -> memref<64x384xf32, #tpu.memory_space<hbm>>
      %dma_wait3A_129 = arith.constant 0 : i32
      %dma_wait3A_130 = tpu.memref_slice %arg4[%add3A_108, %dma_wait3A_129] : memref<8192x384xf32, #tpu.memory_space<hbm>> -> memref<64x384xf32, #tpu.memory_space<hbm>>
      %dma_wait3A_131 = arith.constant 0 : i32
      %dma_wait3A_132 = arith.constant 0 : i32
      %dma_wait3A_133 = tpu.memref_slice %arg6[%run_scoped3A_109, %dma_wait3A_131, %dma_wait3A_132] : memref<3x64x384xf32, #tpu.memory_space<vmem>> -> memref<1x64x384xf32, #tpu.memory_space<vmem>>
      %dma_wait3A_134 = tpu.memref_squeeze %dma_wait3A_133 : memref<1x64x384xf32, #tpu.memory_space<vmem>> -> memref<64x384xf32, #tpu.memory_space<vmem>>
      tpu.wait_dma2 semaphore(%run_scoped3A_110 : memref<!tpu.dma_semaphore, #tpu.memory_space<semaphore_mem>>) src(%dma_wait3A_134 : memref<64x384xf32, #tpu.memory_space<vmem>>) dst(%dma_wait3A_130 : memref<64x384xf32, #tpu.memory_space<hbm>>)
      tpu.yield
    }) : () -> ()
    return
  }
}

module attributes {stable_mosaic.version = 14 : i64} {
  func.func @_stage_a2_body(%arg0: i32, %arg1: memref<1x512x512xf32, #tpu.memory_space<vmem>>, %arg2: memref<1x512x256xf32, #tpu.memory_space<vmem>>, %arg3: memref<256x1024xf32, #tpu.memory_space<vmem>>, %arg4: memref<256x256xf32, #tpu.memory_space<vmem>>, %arg5: memref<1x512x256xf32, #tpu.memory_space<vmem>>, %arg6: memref<1x512x256xf32, #tpu.memory_space<vmem>>) attributes {dimension_semantics = [#tpu.dimension_semantics<arbitrary>], iteration_bounds = array<i64: 2>, scalar_prefetch = 0 : i64, scratch_operands = 0 : i64, tpu.core_type = #tpu.core_type<tc>, window_params = [{transform_indices = @transform_0, window_bounds = array<i64: 1, 512, 512>}, {transform_indices = @transform_1, window_bounds = array<i64: 1, 512, 256>}, {pipeline_mode = #tpu.pipeline_mode<synchronous>, transform_indices = @transform_2, window_bounds = array<i64: 256, 1024>}, {pipeline_mode = #tpu.pipeline_mode<synchronous>, transform_indices = @transform_3, window_bounds = array<i64: 256, 256>}, {transform_indices = @transform_4, window_bounds = array<i64: 1, 512, 256>}, {transform_indices = @transform_5, window_bounds = array<i64: 1, 512, 256>}]} {
    %get3A = arith.constant 0 : index
    %get3A_0 = arith.constant 0 : index
    %get3A_1 = arith.constant 0 : index
    %get3A_2 = vector.load %arg1[%get3A, %get3A_0, %get3A_1] : memref<1x512x512xf32, #tpu.memory_space<vmem>>, vector<1x512x512xf32>
    %get3A_3 = vector.shape_cast %get3A_2 : vector<1x512x512xf32> to vector<512x512xf32>
    %get3A_4 = arith.constant 0 : index
    %get3A_5 = arith.constant 0 : index
    %get3A_6 = arith.constant 0 : index
    %get3A_7 = vector.load %arg2[%get3A_4, %get3A_5, %get3A_6] : memref<1x512x256xf32, #tpu.memory_space<vmem>>, vector<1x512x256xf32>
    %get3A_8 = vector.shape_cast %get3A_7 : vector<1x512x256xf32> to vector<512x256xf32>
    %get3A_9 = arith.constant 0 : index
    %get3A_10 = arith.constant 0 : index
    %get3A_11 = vector.load %arg3[%get3A_9, %get3A_10] : memref<256x1024xf32, #tpu.memory_space<vmem>>, vector<256x1024xf32>
    %slice3A = vector.extract_strided_slice %get3A_11 {offsets = [0, 512], sizes = [256, 512], strides = [1, 1]} : vector<256x1024xf32> to vector<256x512xf32>
    %slice3A_12 = vector.extract_strided_slice %get3A_11 {offsets = [0, 0], sizes = [256, 512], strides = [1, 1]} : vector<256x1024xf32> to vector<256x512xf32>
    %sub3A = arith.subf %slice3A, %slice3A_12 : vector<256x512xf32>
    %dot_general3A = arith.constant dense<0.000000e+00> : vector<512x256xf32>
    %dot_general3A_13 = tpu.matmul %get3A_3, %sub3A, %dot_general3A {dimension_numbers = #tpu.dot_dimension_numbers<[0], [1], [1], [0], [0, 1, 1, 0], [], []>, transpose_lhs_hint = false} : vector<512x512xf32>, vector<256x512xf32>, vector<512x256xf32> -> vector<512x256xf32>
    %swap3A = arith.constant 0 : index
    %swap3A_14 = arith.constant 0 : index
    %swap3A_15 = arith.constant 0 : index
    %swap3A_16 = vector.load %arg6[%swap3A, %swap3A_14, %swap3A_15] : memref<1x512x256xf32, #tpu.memory_space<vmem>>, vector<1x512x256xf32>
    %swap3A_17 = vector.shape_cast %swap3A_16 : vector<1x512x256xf32> to vector<512x256xf32>
    %swap3A_18 = vector.shape_cast %dot_general3A_13 : vector<512x256xf32> to vector<1x512x256xf32>
    tpu.vector_store %arg6[%swap3A, %swap3A_14, %swap3A_15], %swap3A_18 {strides = array<i32>} : memref<1x512x256xf32, #tpu.memory_space<vmem>>, vector<1x512x256xf32>,
    %get3A_19 = arith.constant 0 : index
    %get3A_20 = arith.constant 0 : index
    %get3A_21 = vector.load %arg4[%get3A_19, %get3A_20] : memref<256x256xf32, #tpu.memory_space<vmem>>, vector<256x256xf32>
    %dot_general3A_22 = arith.constant dense<0.000000e+00> : vector<512x256xf32>
    %dot_general3A_23 = tpu.matmul %get3A_8, %get3A_21, %dot_general3A_22 {dimension_numbers = #tpu.dot_dimension_numbers<[1], [1], [0], [0], [0, 0, 1, 0], [], []>, transpose_lhs_hint = false} : vector<512x256xf32>, vector<256x256xf32>, vector<512x256xf32> -> vector<512x256xf32>
    %swap3A_24 = arith.constant 0 : index
    %swap3A_25 = arith.constant 0 : index
    %swap3A_26 = arith.constant 0 : index
    %swap3A_27 = vector.load %arg5[%swap3A_24, %swap3A_25, %swap3A_26] : memref<1x512x256xf32, #tpu.memory_space<vmem>>, vector<1x512x256xf32>
    %swap3A_28 = vector.shape_cast %swap3A_27 : vector<1x512x256xf32> to vector<512x256xf32>
    %swap3A_29 = vector.shape_cast %dot_general3A_23 : vector<512x256xf32> to vector<1x512x256xf32>
    tpu.vector_store %arg5[%swap3A_24, %swap3A_25, %swap3A_26], %swap3A_29 {strides = array<i32>} : memref<1x512x256xf32, #tpu.memory_space<vmem>>, vector<1x512x256xf32>,
    return
  }
  func.func @transform_0(%arg0: i32) -> (i32, i32, i32) {
    %c0_i32 = arith.constant 0 : i32
    %c0_i32_0 = arith.constant 0 : i32
    %c0_i32_1 = arith.constant 0 : i32
    return %arg0, %c0_i32, %c0_i32_0 : i32, i32, i32
  }
  func.func @transform_1(%arg0: i32) -> (i32, i32, i32) {
    %c0_i32 = arith.constant 0 : i32
    %c0_i32_0 = arith.constant 0 : i32
    %c0_i32_1 = arith.constant 0 : i32
    return %arg0, %c0_i32, %c0_i32_0 : i32, i32, i32
  }
  func.func @transform_2(%arg0: i32) -> (i32, i32) {
    %c0_i32 = arith.constant 0 : i32
    %c0_i32_0 = arith.constant 0 : i32
    %c0_i32_1 = arith.constant 0 : i32
    return %c0_i32, %c0_i32_0 : i32, i32
  }
  func.func @transform_3(%arg0: i32) -> (i32, i32) {
    %c0_i32 = arith.constant 0 : i32
    %c0_i32_0 = arith.constant 0 : i32
    %c0_i32_1 = arith.constant 0 : i32
    return %c0_i32, %c0_i32_0 : i32, i32
  }
  func.func @transform_4(%arg0: i32) -> (i32, i32, i32) {
    %c0_i32 = arith.constant 0 : i32
    %c0_i32_0 = arith.constant 0 : i32
    %c0_i32_1 = arith.constant 0 : i32
    return %arg0, %c0_i32, %c0_i32_0 : i32, i32, i32
  }
  func.func @transform_5(%arg0: i32) -> (i32, i32, i32) {
    %c0_i32 = arith.constant 0 : i32
    %c0_i32_0 = arith.constant 0 : i32
    %c0_i32_1 = arith.constant 0 : i32
    return %arg0, %c0_i32, %c0_i32_0 : i32, i32, i32
  }
}

module attributes {stable_mosaic.version = 14 : i64} {
  func.func @_stage_a1_body(%arg0: i32, %arg1: memref<1x512x512xf32, #tpu.memory_space<vmem>>, %arg2: memref<256x512xf32, #tpu.memory_space<vmem>>, %arg3: memref<1x256xf32, #tpu.memory_space<vmem>>, %arg4: memref<256x1024xf32, #tpu.memory_space<vmem>>, %arg5: memref<256x256xf32, #tpu.memory_space<vmem>>, %arg6: memref<256x256xf32, #tpu.memory_space<vmem>>, %arg7: memref<1x512x16xi32, #tpu.memory_space<vmem>>, %arg8: memref<1x512x384xf32, #tpu.memory_space<vmem>>, %arg9: memref<1x512x768xbf16, #tpu.memory_space<vmem>>, %arg10: memref<1x512x256xf32, #tpu.memory_space<vmem>>) attributes {dimension_semantics = [#tpu.dimension_semantics<arbitrary>], iteration_bounds = array<i64: 2>, scalar_prefetch = 0 : i64, scratch_operands = 0 : i64, tpu.core_type = #tpu.core_type<tc>, window_params = [{transform_indices = @transform_0, window_bounds = array<i64: 1, 512, 512>}, {pipeline_mode = #tpu.pipeline_mode<synchronous>, transform_indices = @transform_1, window_bounds = array<i64: 256, 512>}, {pipeline_mode = #tpu.pipeline_mode<synchronous>, transform_indices = @transform_2, window_bounds = array<i64: 1, 256>}, {pipeline_mode = #tpu.pipeline_mode<synchronous>, transform_indices = @transform_3, window_bounds = array<i64: 256, 1024>}, {pipeline_mode = #tpu.pipeline_mode<synchronous>, transform_indices = @transform_4, window_bounds = array<i64: 256, 256>}, {pipeline_mode = #tpu.pipeline_mode<synchronous>, transform_indices = @transform_5, window_bounds = array<i64: 256, 256>}, {transform_indices = @transform_6, window_bounds = array<i64: 1, 512, 16>}, {transform_indices = @transform_7, window_bounds = array<i64: 1, 512, 384>}, {transform_indices = @transform_8, window_bounds = array<i64: 1, 512, 768>}, {transform_indices = @transform_9, window_bounds = array<i64: 1, 512, 256>}]} {
    %get3A = arith.constant 0 : index
    %get3A_0 = arith.constant 0 : index
    %get3A_1 = arith.constant 0 : index
    %get3A_2 = vector.load %arg1[%get3A, %get3A_0, %get3A_1] : memref<1x512x512xf32, #tpu.memory_space<vmem>>, vector<1x512x512xf32>
    %get3A_3 = vector.shape_cast %get3A_2 : vector<1x512x512xf32> to vector<512x512xf32>
    %dot_general3A = arith.constant dense<0.000000e+00> : vector<512x512xf32>
    %dot_general3A_4 = tpu.matmul %get3A_3, %get3A_3, %dot_general3A {dimension_numbers = #tpu.dot_dimension_numbers<[0], [0], [1], [1], [0, 1, 1, 1], [], []>, transpose_lhs_hint = false} : vector<512x512xf32>, vector<512x512xf32>, vector<512x512xf32> -> vector<512x512xf32>
    %mul3A = arith.mulf %get3A_3, %get3A_3 : vector<512x512xf32>
    %reduce_sum3A = arith.constant dense<0.000000e+00> : vector<512xf32>
    %reduce_sum3A_5 = vector.multi_reduction <add>, %mul3A, %reduce_sum3A [0] : vector<512x512xf32> to vector<512xf32>
    %broadcast_in_dim3A = vector.shape_cast %reduce_sum3A_5 : vector<512xf32> to vector<1x512xf32>
    %mul3A_6 = arith.constant -2.000000e+00 : f32
    %mul3A_7 = vector.broadcast %mul3A_6 : f32 to vector<512x512xf32>
    %mul3A_8 = arith.mulf %mul3A_7, %dot_general3A_4 : vector<512x512xf32>
    %neg3A = arith.constant 0.000000e+00 : f32
    %neg3A_9 = vector.broadcast %neg3A : f32 to vector<1x512xf32>
    %neg3A_10 = arith.subf %neg3A_9, %broadcast_in_dim3A : vector<1x512xf32>
    %sub3A = vector.broadcast %neg3A_10 : vector<1x512xf32> to vector<512x512xf32>
    %sub3A_11 = arith.subf %sub3A, %mul3A_8 : vector<512x512xf32>
    %iota3A = tpu.iota {dimensions = array<i32: 1>} : vector<1x512xi32>
    %reduce_max3A = arith.constant dense<0xFF800000> : vector<512xf32>
    %reduce_max3A_12 = vector.multi_reduction <maximumf>, %sub3A_11, %reduce_max3A [1] : vector<512x512xf32> to vector<512xf32>
    %broadcast_in_dim3A_13 = vector.shape_cast %reduce_max3A_12 : vector<512xf32> to vector<512x1xf32>
    %eq3A = vector.broadcast %broadcast_in_dim3A_13 : vector<512x1xf32> to vector<512x512xf32>
    %eq3A_14 = arith.cmpf oeq, %sub3A_11, %eq3A : vector<512x512xf32>
    %jit3A = arith.constant 512 : i32
    %broadcast_in_dim3A_15 = vector.shape_cast %iota3A : vector<1x512xi32> to vector<1x512xi32>
    %broadcast_in_dim3A_16 = vector.broadcast %broadcast_in_dim3A_15 : vector<1x512xi32> to vector<512x512xi32>
    %broadcast_in_dim3A_17 = vector.broadcast %jit3A : i32 to vector<512x512xi32>
    %select_n3A = arith.select %eq3A_14, %broadcast_in_dim3A_16, %broadcast_in_dim3A_17 : vector<512x512xi1>, vector<512x512xi32>
    %reduce_min3A = arith.constant dense<2147483647> : vector<512xi32>
    %reduce_min3A_18 = vector.multi_reduction <minsi>, %select_n3A, %reduce_min3A [1] : vector<512x512xi32> to vector<512xi32>
    %broadcast_in_dim3A_19 = vector.shape_cast %reduce_min3A_18 : vector<512xi32> to vector<512x1xi32>
    %eq3A_20 = vector.broadcast %iota3A : vector<1x512xi32> to vector<512x512xi32>
    %eq3A_21 = vector.broadcast %broadcast_in_dim3A_19 : vector<512x1xi32> to vector<512x512xi32>
    %eq3A_22 = arith.cmpi eq, %eq3A_20, %eq3A_21 : vector<512x512xi32>
    %jit3A_23 = arith.constant 0xFF800000 : f32
    %broadcast_in_dim3A_24 = vector.broadcast %jit3A_23 : f32 to vector<512x512xf32>
    %select_n3A_25 = arith.select %eq3A_22, %broadcast_in_dim3A_24, %sub3A_11 : vector<512x512xi1>, vector<512x512xf32>
    %reduce_max3A_26 = arith.constant dense<0xFF800000> : vector<512xf32>
    %reduce_max3A_27 = vector.multi_reduction <maximumf>, %select_n3A_25, %reduce_max3A_26 [1] : vector<512x512xf32> to vector<512xf32>
    %broadcast_in_dim3A_28 = vector.shape_cast %reduce_max3A_27 : vector<512xf32> to vector<512x1xf32>
    %eq3A_29 = vector.broadcast %broadcast_in_dim3A_28 : vector<512x1xf32> to vector<512x512xf32>
    %eq3A_30 = arith.cmpf oeq, %select_n3A_25, %eq3A_29 : vector<512x512xf32>
    %jit3A_31 = arith.constant 512 : i32
    %broadcast_in_dim3A_32 = vector.shape_cast %iota3A : vector<1x512xi32> to vector<1x512xi32>
    %broadcast_in_dim3A_33 = vector.broadcast %broadcast_in_dim3A_32 : vector<1x512xi32> to vector<512x512xi32>
    %broadcast_in_dim3A_34 = vector.broadcast %jit3A_31 : i32 to vector<512x512xi32>
    %select_n3A_35 = arith.select %eq3A_30, %broadcast_in_dim3A_33, %broadcast_in_dim3A_34 : vector<512x512xi1>, vector<512x512xi32>
    %reduce_min3A_36 = arith.constant dense<2147483647> : vector<512xi32>
    %reduce_min3A_37 = vector.multi_reduction <minsi>, %select_n3A_35, %reduce_min3A_36 [1] : vector<512x512xi32> to vector<512xi32>
    %broadcast_in_dim3A_38 = vector.shape_cast %reduce_min3A_37 : vector<512xi32> to vector<512x1xi32>
    %eq3A_39 = vector.broadcast %iota3A : vector<1x512xi32> to vector<512x512xi32>
    %eq3A_40 = vector.broadcast %broadcast_in_dim3A_38 : vector<512x1xi32> to vector<512x512xi32>
    %eq3A_41 = arith.cmpi eq, %eq3A_39, %eq3A_40 : vector<512x512xi32>
    %jit3A_42 = arith.constant 0xFF800000 : f32
    %broadcast_in_dim3A_43 = vector.broadcast %jit3A_42 : f32 to vector<512x512xf32>
    %select_n3A_44 = arith.select %eq3A_41, %broadcast_in_dim3A_43, %select_n3A_25 : vector<512x512xi1>, vector<512x512xf32>
    %reduce_max3A_45 = arith.constant dense<0xFF800000> : vector<512xf32>
    %reduce_max3A_46 = vector.multi_reduction <maximumf>, %select_n3A_44, %reduce_max3A_45 [1] : vector<512x512xf32> to vector<512xf32>
    %broadcast_in_dim3A_47 = vector.shape_cast %reduce_max3A_46 : vector<512xf32> to vector<512x1xf32>
    %eq3A_48 = vector.broadcast %broadcast_in_dim3A_47 : vector<512x1xf32> to vector<512x512xf32>
    %eq3A_49 = arith.cmpf oeq, %select_n3A_44, %eq3A_48 : vector<512x512xf32>
    %jit3A_50 = arith.constant 512 : i32
    %broadcast_in_dim3A_51 = vector.shape_cast %iota3A : vector<1x512xi32> to vector<1x512xi32>
    %broadcast_in_dim3A_52 = vector.broadcast %broadcast_in_dim3A_51 : vector<1x512xi32> to vector<512x512xi32>
    %broadcast_in_dim3A_53 = vector.broadcast %jit3A_50 : i32 to vector<512x512xi32>
    %select_n3A_54 = arith.select %eq3A_49, %broadcast_in_dim3A_52, %broadcast_in_dim3A_53 : vector<512x512xi1>, vector<512x512xi32>
    %reduce_min3A_55 = arith.constant dense<2147483647> : vector<512xi32>
    %reduce_min3A_56 = vector.multi_reduction <minsi>, %select_n3A_54, %reduce_min3A_55 [1] : vector<512x512xi32> to vector<512xi32>
    %broadcast_in_dim3A_57 = vector.shape_cast %reduce_min3A_56 : vector<512xi32> to vector<512x1xi32>
    %eq3A_58 = vector.broadcast %iota3A : vector<1x512xi32> to vector<512x512xi32>
    %eq3A_59 = vector.broadcast %broadcast_in_dim3A_57 : vector<512x1xi32> to vector<512x512xi32>
    %eq3A_60 = arith.cmpi eq, %eq3A_58, %eq3A_59 : vector<512x512xi32>
    %jit3A_61 = arith.constant 0xFF800000 : f32
    %broadcast_in_dim3A_62 = vector.broadcast %jit3A_61 : f32 to vector<512x512xf32>
    %select_n3A_63 = arith.select %eq3A_60, %broadcast_in_dim3A_62, %select_n3A_44 : vector<512x512xi1>, vector<512x512xf32>
    %reduce_max3A_64 = arith.constant dense<0xFF800000> : vector<512xf32>
    %reduce_max3A_65 = vector.multi_reduction <maximumf>, %select_n3A_63, %reduce_max3A_64 [1] : vector<512x512xf32> to vector<512xf32>
    %broadcast_in_dim3A_66 = vector.shape_cast %reduce_max3A_65 : vector<512xf32> to vector<512x1xf32>
    %eq3A_67 = vector.broadcast %broadcast_in_dim3A_66 : vector<512x1xf32> to vector<512x512xf32>
    %eq3A_68 = arith.cmpf oeq, %select_n3A_63, %eq3A_67 : vector<512x512xf32>
    %jit3A_69 = arith.constant 512 : i32
    %broadcast_in_dim3A_70 = vector.shape_cast %iota3A : vector<1x512xi32> to vector<1x512xi32>
    %broadcast_in_dim3A_71 = vector.broadcast %broadcast_in_dim3A_70 : vector<1x512xi32> to vector<512x512xi32>
    %broadcast_in_dim3A_72 = vector.broadcast %jit3A_69 : i32 to vector<512x512xi32>
    %select_n3A_73 = arith.select %eq3A_68, %broadcast_in_dim3A_71, %broadcast_in_dim3A_72 : vector<512x512xi1>, vector<512x512xi32>
    %reduce_min3A_74 = arith.constant dense<2147483647> : vector<512xi32>
    %reduce_min3A_75 = vector.multi_reduction <minsi>, %select_n3A_73, %reduce_min3A_74 [1] : vector<512x512xi32> to vector<512xi32>
    %broadcast_in_dim3A_76 = vector.shape_cast %reduce_min3A_75 : vector<512xi32> to vector<512x1xi32>
    %eq3A_77 = vector.broadcast %iota3A : vector<1x512xi32> to vector<512x512xi32>
    %eq3A_78 = vector.broadcast %broadcast_in_dim3A_76 : vector<512x1xi32> to vector<512x512xi32>
    %eq3A_79 = arith.cmpi eq, %eq3A_77, %eq3A_78 : vector<512x512xi32>
    %jit3A_80 = arith.constant 0xFF800000 : f32
    %broadcast_in_dim3A_81 = vector.broadcast %jit3A_80 : f32 to vector<512x512xf32>
    %select_n3A_82 = arith.select %eq3A_79, %broadcast_in_dim3A_81, %select_n3A_63 : vector<512x512xi1>, vector<512x512xf32>
    %reduce_max3A_83 = arith.constant dense<0xFF800000> : vector<512xf32>
    %reduce_max3A_84 = vector.multi_reduction <maximumf>, %select_n3A_82, %reduce_max3A_83 [1] : vector<512x512xf32> to vector<512xf32>
    %broadcast_in_dim3A_85 = vector.shape_cast %reduce_max3A_84 : vector<512xf32> to vector<512x1xf32>
    %eq3A_86 = vector.broadcast %broadcast_in_dim3A_85 : vector<512x1xf32> to vector<512x512xf32>
    %eq3A_87 = arith.cmpf oeq, %select_n3A_82, %eq3A_86 : vector<512x512xf32>
    %jit3A_88 = arith.constant 512 : i32
    %broadcast_in_dim3A_89 = vector.shape_cast %iota3A : vector<1x512xi32> to vector<1x512xi32>
    %broadcast_in_dim3A_90 = vector.broadcast %broadcast_in_dim3A_89 : vector<1x512xi32> to vector<512x512xi32>
    %broadcast_in_dim3A_91 = vector.broadcast %jit3A_88 : i32 to vector<512x512xi32>
    %select_n3A_92 = arith.select %eq3A_87, %broadcast_in_dim3A_90, %broadcast_in_dim3A_91 : vector<512x512xi1>, vector<512x512xi32>
    %reduce_min3A_93 = arith.constant dense<2147483647> : vector<512xi32>
    %reduce_min3A_94 = vector.multi_reduction <minsi>, %select_n3A_92, %reduce_min3A_93 [1] : vector<512x512xi32> to vector<512xi32>
    %broadcast_in_dim3A_95 = vector.shape_cast %reduce_min3A_94 : vector<512xi32> to vector<512x1xi32>
    %eq3A_96 = vector.broadcast %iota3A : vector<1x512xi32> to vector<512x512xi32>
    %eq3A_97 = vector.broadcast %broadcast_in_dim3A_95 : vector<512x1xi32> to vector<512x512xi32>
    %eq3A_98 = arith.cmpi eq, %eq3A_96, %eq3A_97 : vector<512x512xi32>
    %jit3A_99 = arith.constant 0xFF800000 : f32
    %broadcast_in_dim3A_100 = vector.broadcast %jit3A_99 : f32 to vector<512x512xf32>
    %select_n3A_101 = arith.select %eq3A_98, %broadcast_in_dim3A_100, %select_n3A_82 : vector<512x512xi1>, vector<512x512xf32>
    %reduce_max3A_102 = arith.constant dense<0xFF800000> : vector<512xf32>
    %reduce_max3A_103 = vector.multi_reduction <maximumf>, %select_n3A_101, %reduce_max3A_102 [1] : vector<512x512xf32> to vector<512xf32>
    %broadcast_in_dim3A_104 = vector.shape_cast %reduce_max3A_103 : vector<512xf32> to vector<512x1xf32>
    %eq3A_105 = vector.broadcast %broadcast_in_dim3A_104 : vector<512x1xf32> to vector<512x512xf32>
    %eq3A_106 = arith.cmpf oeq, %select_n3A_101, %eq3A_105 : vector<512x512xf32>
    %jit3A_107 = arith.constant 512 : i32
    %broadcast_in_dim3A_108 = vector.shape_cast %iota3A : vector<1x512xi32> to vector<1x512xi32>
    %broadcast_in_dim3A_109 = vector.broadcast %broadcast_in_dim3A_108 : vector<1x512xi32> to vector<512x512xi32>
    %broadcast_in_dim3A_110 = vector.broadcast %jit3A_107 : i32 to vector<512x512xi32>
    %select_n3A_111 = arith.select %eq3A_106, %broadcast_in_dim3A_109, %broadcast_in_dim3A_110 : vector<512x512xi1>, vector<512x512xi32>
    %reduce_min3A_112 = arith.constant dense<2147483647> : vector<512xi32>
    %reduce_min3A_113 = vector.multi_reduction <minsi>, %select_n3A_111, %reduce_min3A_112 [1] : vector<512x512xi32> to vector<512xi32>
    %broadcast_in_dim3A_114 = vector.shape_cast %reduce_min3A_113 : vector<512xi32> to vector<512x1xi32>
    %eq3A_115 = vector.broadcast %iota3A : vector<1x512xi32> to vector<512x512xi32>
    %eq3A_116 = vector.broadcast %broadcast_in_dim3A_114 : vector<512x1xi32> to vector<512x512xi32>
    %eq3A_117 = arith.cmpi eq, %eq3A_115, %eq3A_116 : vector<512x512xi32>
    %jit3A_118 = arith.constant 0xFF800000 : f32
    %broadcast_in_dim3A_119 = vector.broadcast %jit3A_118 : f32 to vector<512x512xf32>
    %select_n3A_120 = arith.select %eq3A_117, %broadcast_in_dim3A_119, %select_n3A_101 : vector<512x512xi1>, vector<512x512xf32>
    %reduce_max3A_121 = arith.constant dense<0xFF800000> : vector<512xf32>
    %reduce_max3A_122 = vector.multi_reduction <maximumf>, %select_n3A_120, %reduce_max3A_121 [1] : vector<512x512xf32> to vector<512xf32>
    %broadcast_in_dim3A_123 = vector.shape_cast %reduce_max3A_122 : vector<512xf32> to vector<512x1xf32>
    %eq3A_124 = vector.broadcast %broadcast_in_dim3A_123 : vector<512x1xf32> to vector<512x512xf32>
    %eq3A_125 = arith.cmpf oeq, %select_n3A_120, %eq3A_124 : vector<512x512xf32>
    %jit3A_126 = arith.constant 512 : i32
    %broadcast_in_dim3A_127 = vector.shape_cast %iota3A : vector<1x512xi32> to vector<1x512xi32>
    %broadcast_in_dim3A_128 = vector.broadcast %broadcast_in_dim3A_127 : vector<1x512xi32> to vector<512x512xi32>
    %broadcast_in_dim3A_129 = vector.broadcast %jit3A_126 : i32 to vector<512x512xi32>
    %select_n3A_130 = arith.select %eq3A_125, %broadcast_in_dim3A_128, %broadcast_in_dim3A_129 : vector<512x512xi1>, vector<512x512xi32>
    %reduce_min3A_131 = arith.constant dense<2147483647> : vector<512xi32>
    %reduce_min3A_132 = vector.multi_reduction <minsi>, %select_n3A_130, %reduce_min3A_131 [1] : vector<512x512xi32> to vector<512xi32>
    %broadcast_in_dim3A_133 = vector.shape_cast %reduce_min3A_132 : vector<512xi32> to vector<512x1xi32>
    %eq3A_134 = vector.broadcast %iota3A : vector<1x512xi32> to vector<512x512xi32>
    %eq3A_135 = vector.broadcast %broadcast_in_dim3A_133 : vector<512x1xi32> to vector<512x512xi32>
    %eq3A_136 = arith.cmpi eq, %eq3A_134, %eq3A_135 : vector<512x512xi32>
    %jit3A_137 = arith.constant 0xFF800000 : f32
    %broadcast_in_dim3A_138 = vector.broadcast %jit3A_137 : f32 to vector<512x512xf32>
    %select_n3A_139 = arith.select %eq3A_136, %broadcast_in_dim3A_138, %select_n3A_120 : vector<512x512xi1>, vector<512x512xf32>
    %reduce_max3A_140 = arith.constant dense<0xFF800000> : vector<512xf32>
    %reduce_max3A_141 = vector.multi_reduction <maximumf>, %select_n3A_139, %reduce_max3A_140 [1] : vector<512x512xf32> to vector<512xf32>
    %broadcast_in_dim3A_142 = vector.shape_cast %reduce_max3A_141 : vector<512xf32> to vector<512x1xf32>
    %eq3A_143 = vector.broadcast %broadcast_in_dim3A_142 : vector<512x1xf32> to vector<512x512xf32>
    %eq3A_144 = arith.cmpf oeq, %select_n3A_139, %eq3A_143 : vector<512x512xf32>
    %jit3A_145 = arith.constant 512 : i32
    %broadcast_in_dim3A_146 = vector.shape_cast %iota3A : vector<1x512xi32> to vector<1x512xi32>
    %broadcast_in_dim3A_147 = vector.broadcast %broadcast_in_dim3A_146 : vector<1x512xi32> to vector<512x512xi32>
    %broadcast_in_dim3A_148 = vector.broadcast %jit3A_145 : i32 to vector<512x512xi32>
    %select_n3A_149 = arith.select %eq3A_144, %broadcast_in_dim3A_147, %broadcast_in_dim3A_148 : vector<512x512xi1>, vector<512x512xi32>
    %reduce_min3A_150 = arith.constant dense<2147483647> : vector<512xi32>
    %reduce_min3A_151 = vector.multi_reduction <minsi>, %select_n3A_149, %reduce_min3A_150 [1] : vector<512x512xi32> to vector<512xi32>
    %broadcast_in_dim3A_152 = vector.shape_cast %reduce_min3A_151 : vector<512xi32> to vector<512x1xi32>
    %eq3A_153 = vector.broadcast %iota3A : vector<1x512xi32> to vector<512x512xi32>
    %eq3A_154 = vector.broadcast %broadcast_in_dim3A_152 : vector<512x1xi32> to vector<512x512xi32>
    %eq3A_155 = arith.cmpi eq, %eq3A_153, %eq3A_154 : vector<512x512xi32>
    %jit3A_156 = arith.constant 0xFF800000 : f32
    %broadcast_in_dim3A_157 = vector.broadcast %jit3A_156 : f32 to vector<512x512xf32>
    %select_n3A_158 = arith.select %eq3A_155, %broadcast_in_dim3A_157, %select_n3A_139 : vector<512x512xi1>, vector<512x512xf32>
    %reduce_max3A_159 = arith.constant dense<0xFF800000> : vector<512xf32>
    %reduce_max3A_160 = vector.multi_reduction <maximumf>, %select_n3A_158, %reduce_max3A_159 [1] : vector<512x512xf32> to vector<512xf32>
    %broadcast_in_dim3A_161 = vector.shape_cast %reduce_max3A_160 : vector<512xf32> to vector<512x1xf32>
    %eq3A_162 = vector.broadcast %broadcast_in_dim3A_161 : vector<512x1xf32> to vector<512x512xf32>
    %eq3A_163 = arith.cmpf oeq, %select_n3A_158, %eq3A_162 : vector<512x512xf32>
    %jit3A_164 = arith.constant 512 : i32
    %broadcast_in_dim3A_165 = vector.shape_cast %iota3A : vector<1x512xi32> to vector<1x512xi32>
    %broadcast_in_dim3A_166 = vector.broadcast %broadcast_in_dim3A_165 : vector<1x512xi32> to vector<512x512xi32>
    %broadcast_in_dim3A_167 = vector.broadcast %jit3A_164 : i32 to vector<512x512xi32>
    %select_n3A_168 = arith.select %eq3A_163, %broadcast_in_dim3A_166, %broadcast_in_dim3A_167 : vector<512x512xi1>, vector<512x512xi32>
    %reduce_min3A_169 = arith.constant dense<2147483647> : vector<512xi32>
    %reduce_min3A_170 = vector.multi_reduction <minsi>, %select_n3A_168, %reduce_min3A_169 [1] : vector<512x512xi32> to vector<512xi32>
    %broadcast_in_dim3A_171 = vector.shape_cast %reduce_min3A_170 : vector<512xi32> to vector<512x1xi32>
    %eq3A_172 = vector.broadcast %iota3A : vector<1x512xi32> to vector<512x512xi32>
    %eq3A_173 = vector.broadcast %broadcast_in_dim3A_171 : vector<512x1xi32> to vector<512x512xi32>
    %eq3A_174 = arith.cmpi eq, %eq3A_172, %eq3A_173 : vector<512x512xi32>
    %jit3A_175 = arith.constant 0xFF800000 : f32
    %broadcast_in_dim3A_176 = vector.broadcast %jit3A_175 : f32 to vector<512x512xf32>
    %select_n3A_177 = arith.select %eq3A_174, %broadcast_in_dim3A_176, %select_n3A_158 : vector<512x512xi1>, vector<512x512xf32>
    %reduce_max3A_178 = arith.constant dense<0xFF800000> : vector<512xf32>
    %reduce_max3A_179 = vector.multi_reduction <maximumf>, %select_n3A_177, %reduce_max3A_178 [1] : vector<512x512xf32> to vector<512xf32>
    %broadcast_in_dim3A_180 = vector.shape_cast %reduce_max3A_179 : vector<512xf32> to vector<512x1xf32>
    %eq3A_181 = vector.broadcast %broadcast_in_dim3A_180 : vector<512x1xf32> to vector<512x512xf32>
    %eq3A_182 = arith.cmpf oeq, %select_n3A_177, %eq3A_181 : vector<512x512xf32>
    %jit3A_183 = arith.constant 512 : i32
    %broadcast_in_dim3A_184 = vector.shape_cast %iota3A : vector<1x512xi32> to vector<1x512xi32>
    %broadcast_in_dim3A_185 = vector.broadcast %broadcast_in_dim3A_184 : vector<1x512xi32> to vector<512x512xi32>
    %broadcast_in_dim3A_186 = vector.broadcast %jit3A_183 : i32 to vector<512x512xi32>
    %select_n3A_187 = arith.select %eq3A_182, %broadcast_in_dim3A_185, %broadcast_in_dim3A_186 : vector<512x512xi1>, vector<512x512xi32>
    %reduce_min3A_188 = arith.constant dense<2147483647> : vector<512xi32>
    %reduce_min3A_189 = vector.multi_reduction <minsi>, %select_n3A_187, %reduce_min3A_188 [1] : vector<512x512xi32> to vector<512xi32>
    %broadcast_in_dim3A_190 = vector.shape_cast %reduce_min3A_189 : vector<512xi32> to vector<512x1xi32>
    %eq3A_191 = vector.broadcast %iota3A : vector<1x512xi32> to vector<512x512xi32>
    %eq3A_192 = vector.broadcast %broadcast_in_dim3A_190 : vector<512x1xi32> to vector<512x512xi32>
    %eq3A_193 = arith.cmpi eq, %eq3A_191, %eq3A_192 : vector<512x512xi32>
    %jit3A_194 = arith.constant 0xFF800000 : f32
    %broadcast_in_dim3A_195 = vector.broadcast %jit3A_194 : f32 to vector<512x512xf32>
    %select_n3A_196 = arith.select %eq3A_193, %broadcast_in_dim3A_195, %select_n3A_177 : vector<512x512xi1>, vector<512x512xf32>
    %reduce_max3A_197 = arith.constant dense<0xFF800000> : vector<512xf32>
    %reduce_max3A_198 = vector.multi_reduction <maximumf>, %select_n3A_196, %reduce_max3A_197 [1] : vector<512x512xf32> to vector<512xf32>
    %broadcast_in_dim3A_199 = vector.shape_cast %reduce_max3A_198 : vector<512xf32> to vector<512x1xf32>
    %eq3A_200 = vector.broadcast %broadcast_in_dim3A_199 : vector<512x1xf32> to vector<512x512xf32>
    %eq3A_201 = arith.cmpf oeq, %select_n3A_196, %eq3A_200 : vector<512x512xf32>
    %jit3A_202 = arith.constant 512 : i32
    %broadcast_in_dim3A_203 = vector.shape_cast %iota3A : vector<1x512xi32> to vector<1x512xi32>
    %broadcast_in_dim3A_204 = vector.broadcast %broadcast_in_dim3A_203 : vector<1x512xi32> to vector<512x512xi32>
    %broadcast_in_dim3A_205 = vector.broadcast %jit3A_202 : i32 to vector<512x512xi32>
    %select_n3A_206 = arith.select %eq3A_201, %broadcast_in_dim3A_204, %broadcast_in_dim3A_205 : vector<512x512xi1>, vector<512x512xi32>
    %reduce_min3A_207 = arith.constant dense<2147483647> : vector<512xi32>
    %reduce_min3A_208 = vector.multi_reduction <minsi>, %select_n3A_206, %reduce_min3A_207 [1] : vector<512x512xi32> to vector<512xi32>
    %broadcast_in_dim3A_209 = vector.shape_cast %reduce_min3A_208 : vector<512xi32> to vector<512x1xi32>
    %eq3A_210 = vector.broadcast %iota3A : vector<1x512xi32> to vector<512x512xi32>
    %eq3A_211 = vector.broadcast %broadcast_in_dim3A_209 : vector<512x1xi32> to vector<512x512xi32>
    %eq3A_212 = arith.cmpi eq, %eq3A_210, %eq3A_211 : vector<512x512xi32>
    %jit3A_213 = arith.constant 0xFF800000 : f32
    %broadcast_in_dim3A_214 = vector.broadcast %jit3A_213 : f32 to vector<512x512xf32>
    %select_n3A_215 = arith.select %eq3A_212, %broadcast_in_dim3A_214, %select_n3A_196 : vector<512x512xi1>, vector<512x512xf32>
    %reduce_max3A_216 = arith.constant dense<0xFF800000> : vector<512xf32>
    %reduce_max3A_217 = vector.multi_reduction <maximumf>, %select_n3A_215, %reduce_max3A_216 [1] : vector<512x512xf32> to vector<512xf32>
    %broadcast_in_dim3A_218 = vector.shape_cast %reduce_max3A_217 : vector<512xf32> to vector<512x1xf32>
    %eq3A_219 = vector.broadcast %broadcast_in_dim3A_218 : vector<512x1xf32> to vector<512x512xf32>
    %eq3A_220 = arith.cmpf oeq, %select_n3A_215, %eq3A_219 : vector<512x512xf32>
    %jit3A_221 = arith.constant 512 : i32
    %broadcast_in_dim3A_222 = vector.shape_cast %iota3A : vector<1x512xi32> to vector<1x512xi32>
    %broadcast_in_dim3A_223 = vector.broadcast %broadcast_in_dim3A_222 : vector<1x512xi32> to vector<512x512xi32>
    %broadcast_in_dim3A_224 = vector.broadcast %jit3A_221 : i32 to vector<512x512xi32>
    %select_n3A_225 = arith.select %eq3A_220, %broadcast_in_dim3A_223, %broadcast_in_dim3A_224 : vector<512x512xi1>, vector<512x512xi32>
    %reduce_min3A_226 = arith.constant dense<2147483647> : vector<512xi32>
    %reduce_min3A_227 = vector.multi_reduction <minsi>, %select_n3A_225, %reduce_min3A_226 [1] : vector<512x512xi32> to vector<512xi32>
    %broadcast_in_dim3A_228 = vector.shape_cast %reduce_min3A_227 : vector<512xi32> to vector<512x1xi32>
    %eq3A_229 = vector.broadcast %iota3A : vector<1x512xi32> to vector<512x512xi32>
    %eq3A_230 = vector.broadcast %broadcast_in_dim3A_228 : vector<512x1xi32> to vector<512x512xi32>
    %eq3A_231 = arith.cmpi eq, %eq3A_229, %eq3A_230 : vector<512x512xi32>
    %jit3A_232 = arith.constant 0xFF800000 : f32
    %broadcast_in_dim3A_233 = vector.broadcast %jit3A_232 : f32 to vector<512x512xf32>
    %select_n3A_234 = arith.select %eq3A_231, %broadcast_in_dim3A_233, %select_n3A_215 : vector<512x512xi1>, vector<512x512xf32>
    %reduce_max3A_235 = arith.constant dense<0xFF800000> : vector<512xf32>
    %reduce_max3A_236 = vector.multi_reduction <maximumf>, %select_n3A_234, %reduce_max3A_235 [1] : vector<512x512xf32> to vector<512xf32>
    %broadcast_in_dim3A_237 = vector.shape_cast %reduce_max3A_236 : vector<512xf32> to vector<512x1xf32>
    %eq3A_238 = vector.broadcast %broadcast_in_dim3A_237 : vector<512x1xf32> to vector<512x512xf32>
    %eq3A_239 = arith.cmpf oeq, %select_n3A_234, %eq3A_238 : vector<512x512xf32>
    %jit3A_240 = arith.constant 512 : i32
    %broadcast_in_dim3A_241 = vector.shape_cast %iota3A : vector<1x512xi32> to vector<1x512xi32>
    %broadcast_in_dim3A_242 = vector.broadcast %broadcast_in_dim3A_241 : vector<1x512xi32> to vector<512x512xi32>
    %broadcast_in_dim3A_243 = vector.broadcast %jit3A_240 : i32 to vector<512x512xi32>
    %select_n3A_244 = arith.select %eq3A_239, %broadcast_in_dim3A_242, %broadcast_in_dim3A_243 : vector<512x512xi1>, vector<512x512xi32>
    %reduce_min3A_245 = arith.constant dense<2147483647> : vector<512xi32>
    %reduce_min3A_246 = vector.multi_reduction <minsi>, %select_n3A_244, %reduce_min3A_245 [1] : vector<512x512xi32> to vector<512xi32>
    %broadcast_in_dim3A_247 = vector.shape_cast %reduce_min3A_246 : vector<512xi32> to vector<512x1xi32>
    %eq3A_248 = vector.broadcast %iota3A : vector<1x512xi32> to vector<512x512xi32>
    %eq3A_249 = vector.broadcast %broadcast_in_dim3A_247 : vector<512x1xi32> to vector<512x512xi32>
    %eq3A_250 = arith.cmpi eq, %eq3A_248, %eq3A_249 : vector<512x512xi32>
    %jit3A_251 = arith.constant 0xFF800000 : f32
    %broadcast_in_dim3A_252 = vector.broadcast %jit3A_251 : f32 to vector<512x512xf32>
    %select_n3A_253 = arith.select %eq3A_250, %broadcast_in_dim3A_252, %select_n3A_234 : vector<512x512xi1>, vector<512x512xf32>
    %reduce_max3A_254 = arith.constant dense<0xFF800000> : vector<512xf32>
    %reduce_max3A_255 = vector.multi_reduction <maximumf>, %select_n3A_253, %reduce_max3A_254 [1] : vector<512x512xf32> to vector<512xf32>
    %broadcast_in_dim3A_256 = vector.shape_cast %reduce_max3A_255 : vector<512xf32> to vector<512x1xf32>
    %eq3A_257 = vector.broadcast %broadcast_in_dim3A_256 : vector<512x1xf32> to vector<512x512xf32>
    %eq3A_258 = arith.cmpf oeq, %select_n3A_253, %eq3A_257 : vector<512x512xf32>
    %jit3A_259 = arith.constant 512 : i32
    %broadcast_in_dim3A_260 = vector.shape_cast %iota3A : vector<1x512xi32> to vector<1x512xi32>
    %broadcast_in_dim3A_261 = vector.broadcast %broadcast_in_dim3A_260 : vector<1x512xi32> to vector<512x512xi32>
    %broadcast_in_dim3A_262 = vector.broadcast %jit3A_259 : i32 to vector<512x512xi32>
    %select_n3A_263 = arith.select %eq3A_258, %broadcast_in_dim3A_261, %broadcast_in_dim3A_262 : vector<512x512xi1>, vector<512x512xi32>
    %reduce_min3A_264 = arith.constant dense<2147483647> : vector<512xi32>
    %reduce_min3A_265 = vector.multi_reduction <minsi>, %select_n3A_263, %reduce_min3A_264 [1] : vector<512x512xi32> to vector<512xi32>
    %broadcast_in_dim3A_266 = vector.shape_cast %reduce_min3A_265 : vector<512xi32> to vector<512x1xi32>
    %eq3A_267 = vector.broadcast %iota3A : vector<1x512xi32> to vector<512x512xi32>
    %eq3A_268 = vector.broadcast %broadcast_in_dim3A_266 : vector<512x1xi32> to vector<512x512xi32>
    %eq3A_269 = arith.cmpi eq, %eq3A_267, %eq3A_268 : vector<512x512xi32>
    %jit3A_270 = arith.constant 0xFF800000 : f32
    %broadcast_in_dim3A_271 = vector.broadcast %jit3A_270 : f32 to vector<512x512xf32>
    %select_n3A_272 = arith.select %eq3A_269, %broadcast_in_dim3A_271, %select_n3A_253 : vector<512x512xi1>, vector<512x512xf32>
    %reduce_max3A_273 = arith.constant dense<0xFF800000> : vector<512xf32>
    %reduce_max3A_274 = vector.multi_reduction <maximumf>, %select_n3A_272, %reduce_max3A_273 [1] : vector<512x512xf32> to vector<512xf32>
    %broadcast_in_dim3A_275 = vector.shape_cast %reduce_max3A_274 : vector<512xf32> to vector<512x1xf32>
    %eq3A_276 = vector.broadcast %broadcast_in_dim3A_275 : vector<512x1xf32> to vector<512x512xf32>
    %eq3A_277 = arith.cmpf oeq, %select_n3A_272, %eq3A_276 : vector<512x512xf32>
    %jit3A_278 = arith.constant 512 : i32
    %broadcast_in_dim3A_279 = vector.shape_cast %iota3A : vector<1x512xi32> to vector<1x512xi32>
    %broadcast_in_dim3A_280 = vector.broadcast %broadcast_in_dim3A_279 : vector<1x512xi32> to vector<512x512xi32>
    %broadcast_in_dim3A_281 = vector.broadcast %jit3A_278 : i32 to vector<512x512xi32>
    %select_n3A_282 = arith.select %eq3A_277, %broadcast_in_dim3A_280, %broadcast_in_dim3A_281 : vector<512x512xi1>, vector<512x512xi32>
    %reduce_min3A_283 = arith.constant dense<2147483647> : vector<512xi32>
    %reduce_min3A_284 = vector.multi_reduction <minsi>, %select_n3A_282, %reduce_min3A_283 [1] : vector<512x512xi32> to vector<512xi32>
    %broadcast_in_dim3A_285 = vector.shape_cast %reduce_min3A_284 : vector<512xi32> to vector<512x1xi32>
    %eq3A_286 = vector.broadcast %iota3A : vector<1x512xi32> to vector<512x512xi32>
    %eq3A_287 = vector.broadcast %broadcast_in_dim3A_285 : vector<512x1xi32> to vector<512x512xi32>
    %eq3A_288 = arith.cmpi eq, %eq3A_286, %eq3A_287 : vector<512x512xi32>
    %jit3A_289 = arith.constant 0xFF800000 : f32
    %broadcast_in_dim3A_290 = vector.broadcast %jit3A_289 : f32 to vector<512x512xf32>
    %select_n3A_291 = arith.select %eq3A_288, %broadcast_in_dim3A_290, %select_n3A_272 : vector<512x512xi1>, vector<512x512xf32>
    %reduce_max3A_292 = arith.constant dense<0xFF800000> : vector<512xf32>
    %reduce_max3A_293 = vector.multi_reduction <maximumf>, %select_n3A_291, %reduce_max3A_292 [1] : vector<512x512xf32> to vector<512xf32>
    %broadcast_in_dim3A_294 = vector.shape_cast %reduce_max3A_293 : vector<512xf32> to vector<512x1xf32>
    %eq3A_295 = vector.broadcast %broadcast_in_dim3A_294 : vector<512x1xf32> to vector<512x512xf32>
    %eq3A_296 = arith.cmpf oeq, %select_n3A_291, %eq3A_295 : vector<512x512xf32>
    %jit3A_297 = arith.constant 512 : i32
    %broadcast_in_dim3A_298 = vector.shape_cast %iota3A : vector<1x512xi32> to vector<1x512xi32>
    %broadcast_in_dim3A_299 = vector.broadcast %broadcast_in_dim3A_298 : vector<1x512xi32> to vector<512x512xi32>
    %broadcast_in_dim3A_300 = vector.broadcast %jit3A_297 : i32 to vector<512x512xi32>
    %select_n3A_301 = arith.select %eq3A_296, %broadcast_in_dim3A_299, %broadcast_in_dim3A_300 : vector<512x512xi1>, vector<512x512xi32>
    %reduce_min3A_302 = arith.constant dense<2147483647> : vector<512xi32>
    %reduce_min3A_303 = vector.multi_reduction <minsi>, %select_n3A_301, %reduce_min3A_302 [1] : vector<512x512xi32> to vector<512xi32>
    %broadcast_in_dim3A_304 = vector.shape_cast %reduce_min3A_303 : vector<512xi32> to vector<512x1xi32>
    %concatenate3A = tpu.concatenate %broadcast_in_dim3A_19, %broadcast_in_dim3A_38, %broadcast_in_dim3A_57, %broadcast_in_dim3A_76, %broadcast_in_dim3A_95, %broadcast_in_dim3A_114, %broadcast_in_dim3A_133, %broadcast_in_dim3A_152, %broadcast_in_dim3A_171, %broadcast_in_dim3A_190, %broadcast_in_dim3A_209, %broadcast_in_dim3A_228, %broadcast_in_dim3A_247, %broadcast_in_dim3A_266, %broadcast_in_dim3A_285, %broadcast_in_dim3A_304 in 1 : vector<512x1xi32>, vector<512x1xi32>, vector<512x1xi32>, vector<512x1xi32>, vector<512x1xi32>, vector<512x1xi32>, vector<512x1xi32>, vector<512x1xi32>, vector<512x1xi32>, vector<512x1xi32>, vector<512x1xi32>, vector<512x1xi32>, vector<512x1xi32>, vector<512x1xi32>, vector<512x1xi32>, vector<512x1xi32> -> vector<512x16xi32>
    %mul3A_305 = arith.constant 512 : i32
    %mul3A_306 = arith.muli %arg0, %mul3A_305 : i32
    %add3A = vector.broadcast %mul3A_306 : i32 to vector<512x16xi32>
    %add3A_307 = arith.addi %concatenate3A, %add3A : vector<512x16xi32>
    %swap3A = arith.constant 0 : index
    %swap3A_308 = arith.constant 0 : index
    %swap3A_309 = arith.constant 0 : index
    %swap3A_310 = vector.load %arg7[%swap3A, %swap3A_308, %swap3A_309] : memref<1x512x16xi32, #tpu.memory_space<vmem>>, vector<1x512x16xi32>
    %swap3A_311 = vector.shape_cast %swap3A_310 : vector<1x512x16xi32> to vector<512x16xi32>
    %swap3A_312 = vector.shape_cast %add3A_307 : vector<512x16xi32> to vector<1x512x16xi32>
    tpu.vector_store %arg7[%swap3A, %swap3A_308, %swap3A_309], %swap3A_312 {strides = array<i32>} : memref<1x512x16xi32, #tpu.memory_space<vmem>>, vector<1x512x16xi32>,
    %get3A_313 = arith.constant 0 : index
    %get3A_314 = arith.constant 0 : index
    %get3A_315 = vector.load %arg4[%get3A_313, %get3A_314] : memref<256x1024xf32, #tpu.memory_space<vmem>>, vector<256x1024xf32>
    %slice3A = vector.extract_strided_slice %get3A_315 {offsets = [0, 0], sizes = [256, 512], strides = [1, 1]} : vector<256x1024xf32> to vector<256x512xf32>
    %get3A_316 = arith.constant 0 : index
    %get3A_317 = arith.constant 0 : index
    %get3A_318 = vector.load %arg2[%get3A_316, %get3A_317] : memref<256x512xf32, #tpu.memory_space<vmem>>, vector<256x512xf32>
    %dot_general3A_319 = arith.constant dense<0.000000e+00> : vector<512x256xf32>
    %dot_general3A_320 = tpu.matmul %get3A_3, %get3A_318, %dot_general3A_319 {dimension_numbers = #tpu.dot_dimension_numbers<[0], [1], [1], [0], [0, 1, 1, 0], [], []>, transpose_lhs_hint = false} : vector<512x512xf32>, vector<256x512xf32>, vector<512x256xf32> -> vector<512x256xf32>
    %get3A_321 = arith.constant 0 : index
    %get3A_322 = arith.constant 0 : index
    %get3A_323 = vector.load %arg3[%get3A_321, %get3A_322] : memref<1x256xf32, #tpu.memory_space<vmem>>, vector<1x256xf32>
    %add3A_324 = vector.broadcast %get3A_323 : vector<1x256xf32> to vector<512x256xf32>
    %add3A_325 = arith.addf %dot_general3A_320, %add3A_324 : vector<512x256xf32>
    %dot_general3A_326 = arith.constant dense<0.000000e+00> : vector<512x256xf32>
    %dot_general3A_327 = tpu.matmul %get3A_3, %slice3A, %dot_general3A_326 {dimension_numbers = #tpu.dot_dimension_numbers<[0], [1], [1], [0], [0, 1, 1, 0], [], []>, transpose_lhs_hint = false} : vector<512x512xf32>, vector<256x512xf32>, vector<512x256xf32> -> vector<512x256xf32>
    %get3A_328 = arith.constant 0 : index
    %get3A_329 = arith.constant 0 : index
    %get3A_330 = vector.load %arg5[%get3A_328, %get3A_329] : memref<256x256xf32, #tpu.memory_space<vmem>>, vector<256x256xf32>
    %dot_general3A_331 = arith.constant dense<0.000000e+00> : vector<512x256xf32>
    %dot_general3A_332 = tpu.matmul %add3A_325, %get3A_330, %dot_general3A_331 {dimension_numbers = #tpu.dot_dimension_numbers<[1], [1], [0], [0], [0, 0, 1, 0], [], []>, transpose_lhs_hint = false} : vector<512x256xf32>, vector<256x256xf32>, vector<512x256xf32> -> vector<512x256xf32>
    %get3A_333 = arith.constant 0 : index
    %get3A_334 = arith.constant 0 : index
    %get3A_335 = vector.load %arg6[%get3A_333, %get3A_334] : memref<256x256xf32, #tpu.memory_space<vmem>>, vector<256x256xf32>
    %dot_general3A_336 = arith.constant dense<0.000000e+00> : vector<512x256xf32>
    %dot_general3A_337 = tpu.matmul %add3A_325, %get3A_335, %dot_general3A_336 {dimension_numbers = #tpu.dot_dimension_numbers<[1], [1], [0], [0], [0, 0, 1, 0], [], []>, transpose_lhs_hint = false} : vector<512x256xf32>, vector<256x256xf32>, vector<512x256xf32> -> vector<512x256xf32>
    %concatenate3A_338 = tpu.concatenate %dot_general3A_327, %dot_general3A_332, %dot_general3A_337 in 1 : vector<512x256xf32>, vector<512x256xf32>, vector<512x256xf32> -> vector<512x768xf32>
    %slice3A_339 = vector.extract_strided_slice %concatenate3A_338 {offsets = [0, 0], sizes = [512, 384], strides = [1, 1]} : vector<512x768xf32> to vector<512x384xf32>
    %slice3A_340 = vector.extract_strided_slice %concatenate3A_338 {offsets = [0, 384], sizes = [512, 384], strides = [1, 1]} : vector<512x768xf32> to vector<512x384xf32>
    %bitcast_convert_type3A = tpu.bitcast %slice3A_339 : vector<512x384xf32> -> vector<512x384xi32>
    %bitcast_convert_type3A_341 = tpu.bitcast %slice3A_340 : vector<512x384xf32> -> vector<512x384xi32>
    %shift_right_logical3A = arith.constant 16 : i32
    %shift_right_logical3A_342 = vector.broadcast %shift_right_logical3A : i32 to vector<512x384xi32>
    %shift_right_logical3A_343 = arith.shrui %bitcast_convert_type3A, %shift_right_logical3A_342 : vector<512x384xi32>
    %and3A = arith.constant 1 : i32
    %and3A_344 = vector.broadcast %and3A : i32 to vector<512x384xi32>
    %and3A_345 = arith.andi %shift_right_logical3A_343, %and3A_344 : vector<512x384xi32>
    %add3A_346 = arith.constant 32767 : i32
    %add3A_347 = vector.broadcast %add3A_346 : i32 to vector<512x384xi32>
    %add3A_348 = arith.addi %add3A_347, %and3A_345 : vector<512x384xi32>
    %add3A_349 = arith.addi %bitcast_convert_type3A, %add3A_348 : vector<512x384xi32>
    %shift_right_logical3A_350 = arith.constant 16 : i32
    %shift_right_logical3A_351 = vector.broadcast %shift_right_logical3A_350 : i32 to vector<512x384xi32>
    %shift_right_logical3A_352 = arith.shrui %bitcast_convert_type3A_341, %shift_right_logical3A_351 : vector<512x384xi32>
    %and3A_353 = arith.constant 1 : i32
    %and3A_354 = vector.broadcast %and3A_353 : i32 to vector<512x384xi32>
    %and3A_355 = arith.andi %shift_right_logical3A_352, %and3A_354 : vector<512x384xi32>
    %add3A_356 = arith.constant 32767 : i32
    %add3A_357 = vector.broadcast %add3A_356 : i32 to vector<512x384xi32>
    %add3A_358 = arith.addi %add3A_357, %and3A_355 : vector<512x384xi32>
    %add3A_359 = arith.addi %bitcast_convert_type3A_341, %add3A_358 : vector<512x384xi32>
    %and3A_360 = arith.constant -65536 : i32
    %and3A_361 = vector.broadcast %and3A_360 : i32 to vector<512x384xi32>
    %and3A_362 = arith.andi %add3A_349, %and3A_361 : vector<512x384xi32>
    %shift_right_logical3A_363 = arith.constant 16 : i32
    %shift_right_logical3A_364 = vector.broadcast %shift_right_logical3A_363 : i32 to vector<512x384xi32>
    %shift_right_logical3A_365 = arith.shrui %add3A_359, %shift_right_logical3A_364 : vector<512x384xi32>
    %or3A = arith.ori %and3A_362, %shift_right_logical3A_365 : vector<512x384xi32>
    %bitcast_convert_type3A_366 = tpu.bitcast %or3A : vector<512x384xi32> -> vector<512x384xf32>
    %swap3A_367 = arith.constant 0 : index
    %swap3A_368 = arith.constant 0 : index
    %swap3A_369 = arith.constant 0 : index
    %swap3A_370 = vector.load %arg8[%swap3A_367, %swap3A_368, %swap3A_369] : memref<1x512x384xf32, #tpu.memory_space<vmem>>, vector<1x512x384xf32>
    %swap3A_371 = vector.shape_cast %swap3A_370 : vector<1x512x384xf32> to vector<512x384xf32>
    %swap3A_372 = vector.shape_cast %bitcast_convert_type3A_366 : vector<512x384xf32> to vector<1x512x384xf32>
    tpu.vector_store %arg8[%swap3A_367, %swap3A_368, %swap3A_369], %swap3A_372 {strides = array<i32>} : memref<1x512x384xf32, #tpu.memory_space<vmem>>, vector<1x512x384xf32>,
    %convert_element_type3A = arith.truncf %concatenate3A_338 : vector<512x768xf32> to vector<512x768xbf16>
    %swap3A_373 = arith.constant 0 : index
    %swap3A_374 = arith.constant 0 : index
    %swap3A_375 = arith.constant 0 : index
    %swap3A_376 = vector.load %arg9[%swap3A_373, %swap3A_374, %swap3A_375] : memref<1x512x768xbf16, #tpu.memory_space<vmem>>, vector<1x512x768xbf16>
    %swap3A_377 = vector.shape_cast %swap3A_376 : vector<1x512x768xbf16> to vector<512x768xbf16>
    %swap3A_378 = vector.shape_cast %convert_element_type3A : vector<512x768xbf16> to vector<1x512x768xbf16>
    tpu.vector_store %arg9[%swap3A_373, %swap3A_374, %swap3A_375], %swap3A_378 {strides = array<i32>} : memref<1x512x768xbf16, #tpu.memory_space<vmem>>, vector<1x512x768xbf16>,
    %swap3A_379 = arith.constant 0 : index
    %swap3A_380 = arith.constant 0 : index
    %swap3A_381 = arith.constant 0 : index
    %swap3A_382 = vector.load %arg10[%swap3A_379, %swap3A_380, %swap3A_381] : memref<1x512x256xf32, #tpu.memory_space<vmem>>, vector<1x512x256xf32>
    %swap3A_383 = vector.shape_cast %swap3A_382 : vector<1x512x256xf32> to vector<512x256xf32>
    %swap3A_384 = vector.shape_cast %add3A_325 : vector<512x256xf32> to vector<1x512x256xf32>
    tpu.vector_store %arg10[%swap3A_379, %swap3A_380, %swap3A_381], %swap3A_384 {strides = array<i32>} : memref<1x512x256xf32, #tpu.memory_space<vmem>>, vector<1x512x256xf32>,
    return
  }
  func.func @transform_0(%arg0: i32) -> (i32, i32, i32) {
    %c0_i32 = arith.constant 0 : i32
    %c0_i32_0 = arith.constant 0 : i32
    %c0_i32_1 = arith.constant 0 : i32
    return %arg0, %c0_i32, %c0_i32_0 : i32, i32, i32
  }
  func.func @transform_1(%arg0: i32) -> (i32, i32) {
    %c0_i32 = arith.constant 0 : i32
    %c0_i32_0 = arith.constant 0 : i32
    %c0_i32_1 = arith.constant 0 : i32
    return %c0_i32, %c0_i32_0 : i32, i32
  }
  func.func @transform_2(%arg0: i32) -> (i32, i32) {
    %c0_i32 = arith.constant 0 : i32
    %c0_i32_0 = arith.constant 0 : i32
    %c0_i32_1 = arith.constant 0 : i32
    return %c0_i32, %c0_i32_0 : i32, i32
  }
  func.func @transform_3(%arg0: i32) -> (i32, i32) {
    %c0_i32 = arith.constant 0 : i32
    %c0_i32_0 = arith.constant 0 : i32
    %c0_i32_1 = arith.constant 0 : i32
    return %c0_i32, %c0_i32_0 : i32, i32
  }
  func.func @transform_4(%arg0: i32) -> (i32, i32) {
    %c0_i32 = arith.constant 0 : i32
    %c0_i32_0 = arith.constant 0 : i32
    %c0_i32_1 = arith.constant 0 : i32
    return %c0_i32, %c0_i32_0 : i32, i32
  }
  func.func @transform_5(%arg0: i32) -> (i32, i32) {
    %c0_i32 = arith.constant 0 : i32
    %c0_i32_0 = arith.constant 0 : i32
    %c0_i32_1 = arith.constant 0 : i32
    return %c0_i32, %c0_i32_0 : i32, i32
  }
  func.func @transform_6(%arg0: i32) -> (i32, i32, i32) {
    %c0_i32 = arith.constant 0 : i32
    %c0_i32_0 = arith.constant 0 : i32
    %c0_i32_1 = arith.constant 0 : i32
    return %arg0, %c0_i32, %c0_i32_0 : i32, i32, i32
  }
  func.func @transform_7(%arg0: i32) -> (i32, i32, i32) {
    %c0_i32 = arith.constant 0 : i32
    %c0_i32_0 = arith.constant 0 : i32
    %c0_i32_1 = arith.constant 0 : i32
    return %arg0, %c0_i32, %c0_i32_0 : i32, i32, i32
  }
  func.func @transform_8(%arg0: i32) -> (i32, i32, i32) {
    %c0_i32 = arith.constant 0 : i32
    %c0_i32_0 = arith.constant 0 : i32
    %c0_i32_1 = arith.constant 0 : i32
    return %arg0, %c0_i32, %c0_i32_0 : i32, i32, i32
  }
  func.func @transform_9(%arg0: i32) -> (i32, i32, i32) {
    %c0_i32 = arith.constant 0 : i32
    %c0_i32_0 = arith.constant 0 : i32
    %c0_i32_1 = arith.constant 0 : i32
    return %arg0, %c0_i32, %c0_i32_0 : i32, i32, i32
  }
}

module attributes {stable_mosaic.version = 14 : i64} {
  func.func @_stage_c1_body(%arg0: i32, %arg1: memref<2x512x16x256xf32, #tpu.memory_space<any>>, %arg2: memref<2048x384xf32, #tpu.memory_space<vmem>>, %arg3: memref<128x256xf32, #tpu.memory_space<vmem>>, %arg4: memref<128x256xf32, #tpu.memory_space<vmem>>, %arg5: memref<1024x256xf32, #tpu.memory_space<vmem>>, %arg6: memref<512x256xf32, #tpu.memory_space<vmem>>, %arg7: memref<256x256xf32, #tpu.memory_space<vmem>>, %arg8: memref<1x256xf32, #tpu.memory_space<vmem>>, %arg9: memref<1x256xf32, #tpu.memory_space<vmem>>, %arg10: memref<256x256xf32, #tpu.memory_space<vmem>>, %arg11: memref<1x256xf32, #tpu.memory_space<vmem>>, %arg12: memref<256x256xf32, #tpu.memory_space<vmem>>, %arg13: memref<1x256xf32, #tpu.memory_space<vmem>>, %arg14: memref<256x256xf32, #tpu.memory_space<vmem>>, %arg15: memref<1x256xf32, #tpu.memory_space<vmem>>, %arg16: memref<1x256xf32, #tpu.memory_space<vmem>>, %arg17: memref<1x256xf32, #tpu.memory_space<vmem>>, %arg18: memref<64x256xf32, #tpu.memory_space<vmem>>, %arg19: memref<256x256xf32, #tpu.memory_space<vmem>>, %arg20: memref<1x256xf32, #tpu.memory_space<vmem>>, %arg21: memref<256x256xf32, #tpu.memory_space<vmem>>, %arg22: memref<1x256xf32, #tpu.memory_space<vmem>>, %arg23: memref<1x256xf32, #tpu.memory_space<vmem>>, %arg24: memref<1x256xf32, #tpu.memory_space<vmem>>, %arg25: memref<1x128x16x256xf32, #tpu.memory_space<vmem>>, %arg26: memref<2x512x256xf32, #tpu.memory_space<vmem>>, %arg27: memref<512x256xf32, #tpu.memory_space<vmem>>) attributes {dimension_semantics = [#tpu.dimension_semantics<arbitrary>], iteration_bounds = array<i64: 4>, scalar_prefetch = 0 : i64, scratch_operands = 1 : i64, tpu.core_type = #tpu.core_type<tc>, window_params = [{}, {transform_indices = @transform_1, window_bounds = array<i64: 2048, 384>}, {transform_indices = @transform_2, window_bounds = array<i64: 128, 256>}, {transform_indices = @transform_3, window_bounds = array<i64: 128, 256>}, {pipeline_mode = #tpu.pipeline_mode<synchronous>, transform_indices = @transform_4, window_bounds = array<i64: 1024, 256>}, {pipeline_mode = #tpu.pipeline_mode<synchronous>, transform_indices = @transform_5, window_bounds = array<i64: 512, 256>}, {pipeline_mode = #tpu.pipeline_mode<synchronous>, transform_indices = @transform_6, window_bounds = array<i64: 256, 256>}, {pipeline_mode = #tpu.pipeline_mode<synchronous>, transform_indices = @transform_7, window_bounds = array<i64: 1, 256>}, {pipeline_mode = #tpu.pipeline_mode<synchronous>, transform_indices = @transform_8, window_bounds = array<i64: 1, 256>}, {pipeline_mode = #tpu.pipeline_mode<synchronous>, transform_indices = @transform_9, window_bounds = array<i64: 256, 256>}, {pipeline_mode = #tpu.pipeline_mode<synchronous>, transform_indices = @transform_10, window_bounds = array<i64: 1, 256>}, {pipeline_mode = #tpu.pipeline_mode<synchronous>, transform_indices = @transform_11, window_bounds = array<i64: 256, 256>}, {pipeline_mode = #tpu.pipeline_mode<synchronous>, transform_indices = @transform_12, window_bounds = array<i64: 1, 256>}, {pipeline_mode = #tpu.pipeline_mode<synchronous>, transform_indices = @transform_13, window_bounds = array<i64: 256, 256>}, {pipeline_mode = #tpu.pipeline_mode<synchronous>, transform_indices = @transform_14, window_bounds = array<i64: 1, 256>}, {pipeline_mode = #tpu.pipeline_mode<synchronous>, transform_indices = @transform_15, window_bounds = array<i64: 1, 256>}, {pipeline_mode = #tpu.pipeline_mode<synchronous>, transform_indices = @transform_16, window_bounds = array<i64: 1, 256>}, {pipeline_mode = #tpu.pipeline_mode<synchronous>, transform_indices = @transform_17, window_bounds = array<i64: 64, 256>}, {pipeline_mode = #tpu.pipeline_mode<synchronous>, transform_indices = @transform_18, window_bounds = array<i64: 256, 256>}, {pipeline_mode = #tpu.pipeline_mode<synchronous>, transform_indices = @transform_19, window_bounds = array<i64: 1, 256>}, {pipeline_mode = #tpu.pipeline_mode<synchronous>, transform_indices = @transform_20, window_bounds = array<i64: 256, 256>}, {pipeline_mode = #tpu.pipeline_mode<synchronous>, transform_indices = @transform_21, window_bounds = array<i64: 1, 256>}, {pipeline_mode = #tpu.pipeline_mode<synchronous>, transform_indices = @transform_22, window_bounds = array<i64: 1, 256>}, {pipeline_mode = #tpu.pipeline_mode<synchronous>, transform_indices = @transform_23, window_bounds = array<i64: 1, 256>}, {transform_indices = @transform_24, window_bounds = array<i64: 1, 128, 16, 256>}, {pipeline_mode = #tpu.pipeline_mode<synchronous>, transform_indices = @transform_25, window_bounds = array<i64: 2, 512, 256>}]} {
    %get3A = arith.constant 0 : index
    %get3A_0 = arith.constant 0 : index
    %get3A_1 = vector.load %arg2[%get3A, %get3A_0] : memref<2048x384xf32, #tpu.memory_space<vmem>>, vector<2048x384xf32>
    %bitcast_convert_type3A = tpu.bitcast %get3A_1 : vector<2048x384xf32> -> vector<2048x384xi32>
    %and3A = arith.constant -65536 : i32
    %and3A_2 = vector.broadcast %and3A : i32 to vector<2048x384xi32>
    %and3A_3 = arith.andi %bitcast_convert_type3A, %and3A_2 : vector<2048x384xi32>
    %bitcast_convert_type3A_4 = tpu.bitcast %and3A_3 : vector<2048x384xi32> -> vector<2048x384xf32>
    %shift_left3A = arith.constant 16 : i32
    %shift_left3A_5 = vector.broadcast %shift_left3A : i32 to vector<2048x384xi32>
    %shift_left3A_6 = arith.shli %bitcast_convert_type3A, %shift_left3A_5 : vector<2048x384xi32>
    %bitcast_convert_type3A_7 = tpu.bitcast %shift_left3A_6 : vector<2048x384xi32> -> vector<2048x384xf32>
    %concatenate3A = tpu.concatenate %bitcast_convert_type3A_4, %bitcast_convert_type3A_7 in 1 : vector<2048x384xf32>, vector<2048x384xf32> -> vector<2048x768xf32>
    %get3A_8 = arith.constant 0 : index
    %get3A_9 = arith.constant 0 : index
    %get3A_10 = vector.load %arg3[%get3A_8, %get3A_9] : memref<128x256xf32, #tpu.memory_space<vmem>>, vector<128x256xf32>
    %get3A_11 = arith.constant 0 : index
    %get3A_12 = arith.constant 0 : index
    %get3A_13 = vector.load %arg4[%get3A_11, %get3A_12] : memref<128x256xf32, #tpu.memory_space<vmem>>, vector<128x256xf32>
    %broadcast_in_dim3A = vector.shape_cast %get3A_10 : vector<128x256xf32> to vector<128x1x256xf32>
    %broadcast_in_dim3A_14 = vector.shape_cast %broadcast_in_dim3A : vector<128x1x256xf32> to vector<128x1x256xf32>
    %broadcast_in_dim3A_15 = vector.broadcast %broadcast_in_dim3A_14 : vector<128x1x256xf32> to vector<128x16x256xf32>
    %reshape3A = vector.shape_cast %broadcast_in_dim3A_15 : vector<128x16x256xf32> to vector<2048x256xf32>
    %broadcast_in_dim3A_16 = vector.shape_cast %get3A_13 : vector<128x256xf32> to vector<128x1x256xf32>
    %broadcast_in_dim3A_17 = vector.shape_cast %broadcast_in_dim3A_16 : vector<128x1x256xf32> to vector<128x1x256xf32>
    %broadcast_in_dim3A_18 = vector.broadcast %broadcast_in_dim3A_17 : vector<128x1x256xf32> to vector<128x16x256xf32>
    %reshape3A_19 = vector.shape_cast %broadcast_in_dim3A_18 : vector<128x16x256xf32> to vector<2048x256xf32>
    %slice3A = vector.extract_strided_slice %concatenate3A {offsets = [0, 0], sizes = [2048, 256], strides = [1, 1]} : vector<2048x768xf32> to vector<2048x256xf32>
    %add3A = arith.addf %slice3A, %reshape3A : vector<2048x256xf32>
    %get3A_20 = arith.constant 0 : index
    %get3A_21 = arith.constant 0 : index
    %get3A_22 = vector.load %arg8[%get3A_20, %get3A_21] : memref<1x256xf32, #tpu.memory_space<vmem>>, vector<1x256xf32>
    %add3A_23 = vector.broadcast %get3A_22 : vector<1x256xf32> to vector<2048x256xf32>
    %add3A_24 = arith.addf %add3A, %add3A_23 : vector<2048x256xf32>
    %max3A = arith.constant 0.000000e+00 : f32
    %max3A_25 = vector.broadcast %max3A : f32 to vector<2048x256xf32>
    %max3A_26 = arith.maximumf %add3A_24, %max3A_25 : vector<2048x256xf32>
    %convert_element_type3A = arith.truncf %max3A_26 : vector<2048x256xf32> to vector<2048x256xbf16>
    %get3A_27 = arith.constant 0 : index
    %get3A_28 = arith.constant 0 : index
    %get3A_29 = vector.load %arg7[%get3A_27, %get3A_28] : memref<256x256xf32, #tpu.memory_space<vmem>>, vector<256x256xf32>
    %convert_element_type3A_30 = arith.truncf %get3A_29 : vector<256x256xf32> to vector<256x256xbf16>
    %dot_general3A = arith.constant dense<0.000000e+00> : vector<2048x256xf32>
    %dot_general3A_31 = tpu.matmul %convert_element_type3A, %convert_element_type3A_30, %dot_general3A {dimension_numbers = #tpu.dot_dimension_numbers<[1], [1], [0], [0], [0, 0, 1, 0], [], []>, transpose_lhs_hint = false} : vector<2048x256xbf16>, vector<256x256xbf16>, vector<2048x256xf32> -> vector<2048x256xf32>
    %get3A_32 = arith.constant 0 : index
    %get3A_33 = arith.constant 0 : index
    %get3A_34 = vector.load %arg9[%get3A_32, %get3A_33] : memref<1x256xf32, #tpu.memory_space<vmem>>, vector<1x256xf32>
    %add3A_35 = vector.broadcast %get3A_34 : vector<1x256xf32> to vector<2048x256xf32>
    %add3A_36 = arith.addf %dot_general3A_31, %add3A_35 : vector<2048x256xf32>
    %slice3A_37 = vector.extract_strided_slice %concatenate3A {offsets = [0, 256], sizes = [2048, 256], strides = [1, 1]} : vector<2048x768xf32> to vector<2048x256xf32>
    %sub3A = arith.subf %reshape3A_19, %slice3A_37 : vector<2048x256xf32>
    %add3A_38 = arith.addf %sub3A, %add3A_36 : vector<2048x256xf32>
    %convert_element_type3A_39 = arith.truncf %add3A_38 : vector<2048x256xf32> to vector<2048x256xbf16>
    %get3A_40 = arith.constant 0 : index
    %get3A_41 = arith.constant 0 : index
    %get3A_42 = vector.load %arg10[%get3A_40, %get3A_41] : memref<256x256xf32, #tpu.memory_space<vmem>>, vector<256x256xf32>
    %convert_element_type3A_43 = arith.truncf %get3A_42 : vector<256x256xf32> to vector<256x256xbf16>
    %dot_general3A_44 = arith.constant dense<0.000000e+00> : vector<2048x256xf32>
    %dot_general3A_45 = tpu.matmul %convert_element_type3A_39, %convert_element_type3A_43, %dot_general3A_44 {dimension_numbers = #tpu.dot_dimension_numbers<[1], [1], [0], [0], [0, 0, 1, 0], [], []>, transpose_lhs_hint = false} : vector<2048x256xbf16>, vector<256x256xbf16>, vector<2048x256xf32> -> vector<2048x256xf32>
    %get3A_46 = arith.constant 0 : index
    %get3A_47 = arith.constant 0 : index
    %get3A_48 = vector.load %arg11[%get3A_46, %get3A_47] : memref<1x256xf32, #tpu.memory_space<vmem>>, vector<1x256xf32>
    %add3A_49 = vector.broadcast %get3A_48 : vector<1x256xf32> to vector<2048x256xf32>
    %add3A_50 = arith.addf %dot_general3A_45, %add3A_49 : vector<2048x256xf32>
    %max3A_51 = arith.constant 0.000000e+00 : f32
    %max3A_52 = vector.broadcast %max3A_51 : f32 to vector<2048x256xf32>
    %max3A_53 = arith.maximumf %add3A_50, %max3A_52 : vector<2048x256xf32>
    %convert_element_type3A_54 = arith.truncf %max3A_53 : vector<2048x256xf32> to vector<2048x256xbf16>
    %get3A_55 = arith.constant 0 : index
    %get3A_56 = arith.constant 0 : index
    %get3A_57 = vector.load %arg12[%get3A_55, %get3A_56] : memref<256x256xf32, #tpu.memory_space<vmem>>, vector<256x256xf32>
    %convert_element_type3A_58 = arith.truncf %get3A_57 : vector<256x256xf32> to vector<256x256xbf16>
    %dot_general3A_59 = arith.constant dense<0.000000e+00> : vector<2048x256xf32>
    %dot_general3A_60 = tpu.matmul %convert_element_type3A_54, %convert_element_type3A_58, %dot_general3A_59 {dimension_numbers = #tpu.dot_dimension_numbers<[1], [1], [0], [0], [0, 0, 1, 0], [], []>, transpose_lhs_hint = false} : vector<2048x256xbf16>, vector<256x256xbf16>, vector<2048x256xf32> -> vector<2048x256xf32>
    %get3A_61 = arith.constant 0 : index
    %get3A_62 = arith.constant 0 : index
    %get3A_63 = vector.load %arg13[%get3A_61, %get3A_62] : memref<1x256xf32, #tpu.memory_space<vmem>>, vector<1x256xf32>
    %add3A_64 = vector.broadcast %get3A_63 : vector<1x256xf32> to vector<2048x256xf32>
    %add3A_65 = arith.addf %dot_general3A_60, %add3A_64 : vector<2048x256xf32>
    %mul3A = arith.constant 6.250000e-02 : f32
    %mul3A_66 = vector.broadcast %mul3A : f32 to vector<2048x256xf32>
    %mul3A_67 = arith.mulf %add3A_65, %mul3A_66 : vector<2048x256xf32>
    %reshape3A_68 = vector.shape_cast %mul3A_67 : vector<2048x256xf32> to vector<128x16x256xf32>
    %reduce_max3A = arith.constant dense<0xFF800000> : vector<128x256xf32>
    %reduce_max3A_69 = vector.multi_reduction <maximumf>, %reshape3A_68, %reduce_max3A [1] : vector<128x16x256xf32> to vector<128x256xf32>
    %broadcast_in_dim3A_70 = vector.shape_cast %reduce_max3A_69 : vector<128x256xf32> to vector<128x1x256xf32>
    %sub3A_71 = vector.broadcast %broadcast_in_dim3A_70 : vector<128x1x256xf32> to vector<128x16x256xf32>
    %sub3A_72 = arith.subf %reshape3A_68, %sub3A_71 : vector<128x16x256xf32>
    %exp3A = math.exp %sub3A_72 : vector<128x16x256xf32>
    %reduce_sum3A = arith.constant dense<0.000000e+00> : vector<128x256xf32>
    %reduce_sum3A_73 = vector.multi_reduction <add>, %exp3A, %reduce_sum3A [1] : vector<128x16x256xf32> to vector<128x256xf32>
    %broadcast_in_dim3A_74 = vector.shape_cast %reduce_sum3A_73 : vector<128x256xf32> to vector<128x1x256xf32>
    %log3A = math.log %broadcast_in_dim3A_74 : vector<128x1x256xf32>
    %sub3A_75 = vector.broadcast %log3A : vector<128x1x256xf32> to vector<128x16x256xf32>
    %sub3A_76 = arith.subf %sub3A_72, %sub3A_75 : vector<128x16x256xf32>
    %slice3A_77 = vector.extract_strided_slice %concatenate3A {offsets = [0, 512], sizes = [2048, 256], strides = [1, 1]} : vector<2048x768xf32> to vector<2048x256xf32>
    %add3A_78 = arith.addf %slice3A_77, %add3A_36 : vector<2048x256xf32>
    %reshape3A_79 = vector.shape_cast %add3A_78 : vector<2048x256xf32> to vector<128x16x256xf32>
    %reshape3A_80 = vector.shape_cast %sub3A_76 : vector<128x16x256xf32> to vector<1x128x16x256xf32>
    %mul3A_81 = arith.mulf %sub3A_76, %reshape3A_79 : vector<128x16x256xf32>
    %reduce_sum3A_82 = arith.constant dense<0.000000e+00> : vector<128x256xf32>
    %reduce_sum3A_83 = vector.multi_reduction <add>, %mul3A_81, %reduce_sum3A_82 [1] : vector<128x16x256xf32> to vector<128x256xf32>
    %swap3A = arith.constant 0 : index
    %swap3A_84 = arith.constant 0 : index
    %swap3A_85 = arith.constant 0 : index
    %swap3A_86 = arith.constant 0 : index
    %swap3A_87 = vector.load %arg25[%swap3A, %swap3A_84, %swap3A_85, %swap3A_86] : memref<1x128x16x256xf32, #tpu.memory_space<vmem>>, vector<1x128x16x256xf32>
    tpu.vector_store %arg25[%swap3A, %swap3A_84, %swap3A_85, %swap3A_86], %reshape3A_80 {strides = array<i32>} : memref<1x128x16x256xf32, #tpu.memory_space<vmem>>, vector<1x128x16x256xf32>,
    %mul3A_88 = arith.constant 128 : i32
    %mul3A_89 = arith.muli %arg0, %mul3A_88 : i32
    %swap3A_90 = arith.index_cast %mul3A_89 : i32 to index
    %swap3A_91 = arith.constant 0 : index
    %swap3A_92 = vector.load %arg27[%swap3A_90, %swap3A_91] : memref<512x256xf32, #tpu.memory_space<vmem>>, vector<128x256xf32>
    tpu.vector_store %arg27[%swap3A_90, %swap3A_91], %reduce_sum3A_83 {strides = array<i32>} : memref<512x256xf32, #tpu.memory_space<vmem>>, vector<128x256xf32>,
    %eq3A = arith.constant 3 : i32
    %eq3A_93 = arith.cmpi eq, %arg0, %eq3A : i32
    %convert_element_type3A_94 = arith.extui %eq3A_93 : i1 to i32
    %cond3A = arith.constant 0 : i32
    %cond3A_95 = arith.cmpi ne, %convert_element_type3A_94, %cond3A : i32
    scf.if %cond3A_95 {
      %get3A_96 = arith.constant 0 : index
      %get3A_97 = arith.constant 0 : index
      %get3A_98 = vector.load %arg6[%get3A_96, %get3A_97] : memref<512x256xf32, #tpu.memory_space<vmem>>, vector<512x256xf32>
      %get3A_99 = arith.constant 0 : index
      %get3A_100 = arith.constant 0 : index
      %get3A_101 = vector.load %arg27[%get3A_99, %get3A_100] : memref<512x256xf32, #tpu.memory_space<vmem>>, vector<512x256xf32>
      %concatenate3A_102 = tpu.concatenate %get3A_98, %get3A_101 in 0 : vector<512x256xf32>, vector<512x256xf32> -> vector<1024x256xf32>
      %get3A_103 = arith.constant 0 : index
      %get3A_104 = arith.constant 0 : index
      %get3A_105 = vector.load %arg5[%get3A_103, %get3A_104] : memref<1024x256xf32, #tpu.memory_space<vmem>>, vector<1024x256xf32>
      %get3A_106 = arith.constant 0 : index
      %get3A_107 = arith.constant 0 : index
      %get3A_108 = vector.load %arg14[%get3A_106, %get3A_107] : memref<256x256xf32, #tpu.memory_space<vmem>>, vector<256x256xf32>
      %get3A_109 = arith.constant 0 : index
      %get3A_110 = arith.constant 0 : index
      %get3A_111 = vector.load %arg15[%get3A_109, %get3A_110] : memref<1x256xf32, #tpu.memory_space<vmem>>, vector<1x256xf32>
      %get3A_112 = arith.constant 0 : index
      %get3A_113 = arith.constant 0 : index
      %get3A_114 = vector.load %arg16[%get3A_112, %get3A_113] : memref<1x256xf32, #tpu.memory_space<vmem>>, vector<1x256xf32>
      %get3A_115 = arith.constant 0 : index
      %get3A_116 = arith.constant 0 : index
      %get3A_117 = vector.load %arg17[%get3A_115, %get3A_116] : memref<1x256xf32, #tpu.memory_space<vmem>>, vector<1x256xf32>
      %get3A_118 = arith.constant 0 : index
      %get3A_119 = arith.constant 0 : index
      %get3A_120 = vector.load %arg18[%get3A_118, %get3A_119] : memref<64x256xf32, #tpu.memory_space<vmem>>, vector<64x256xf32>
      %get3A_121 = arith.constant 0 : index
      %get3A_122 = arith.constant 0 : index
      %get3A_123 = vector.load %arg19[%get3A_121, %get3A_122] : memref<256x256xf32, #tpu.memory_space<vmem>>, vector<256x256xf32>
      %get3A_124 = arith.constant 0 : index
      %get3A_125 = arith.constant 0 : index
      %get3A_126 = vector.load %arg20[%get3A_124, %get3A_125] : memref<1x256xf32, #tpu.memory_space<vmem>>, vector<1x256xf32>
      %get3A_127 = arith.constant 0 : index
      %get3A_128 = arith.constant 0 : index
      %get3A_129 = vector.load %arg21[%get3A_127, %get3A_128] : memref<256x256xf32, #tpu.memory_space<vmem>>, vector<256x256xf32>
      %get3A_130 = arith.constant 0 : index
      %get3A_131 = arith.constant 0 : index
      %get3A_132 = vector.load %arg22[%get3A_130, %get3A_131] : memref<1x256xf32, #tpu.memory_space<vmem>>, vector<1x256xf32>
      %get3A_133 = arith.constant 0 : index
      %get3A_134 = arith.constant 0 : index
      %get3A_135 = vector.load %arg23[%get3A_133, %get3A_134] : memref<1x256xf32, #tpu.memory_space<vmem>>, vector<1x256xf32>
      %get3A_136 = arith.constant 0 : index
      %get3A_137 = arith.constant 0 : index
      %get3A_138 = vector.load %arg24[%get3A_136, %get3A_137] : memref<1x256xf32, #tpu.memory_space<vmem>>, vector<1x256xf32>
      %dot_general3A_139 = arith.constant dense<0.000000e+00> : vector<1024x256xf32>
      %dot_general3A_140 = tpu.matmul %concatenate3A_102, %get3A_108, %dot_general3A_139 {dimension_numbers = #tpu.dot_dimension_numbers<[1], [1], [0], [0], [0, 0, 1, 0], [], []>, transpose_lhs_hint = false} : vector<1024x256xf32>, vector<256x256xf32>, vector<1024x256xf32> -> vector<1024x256xf32>
      %add3A_141 = vector.broadcast %get3A_111 : vector<1x256xf32> to vector<1024x256xf32>
      %add3A_142 = arith.addf %dot_general3A_140, %add3A_141 : vector<1024x256xf32>
      %reduce_sum3A_143 = arith.constant dense<0.000000e+00> : vector<256xf32>
      %reduce_sum3A_144 = vector.multi_reduction <add>, %add3A_142, %reduce_sum3A_143 [0] : vector<1024x256xf32> to vector<256xf32>
      %broadcast_in_dim3A_145 = vector.shape_cast %reduce_sum3A_144 : vector<256xf32> to vector<1x256xf32>
      %div3A = arith.constant 1.024000e+03 : f32
      %div3A_146 = vector.broadcast %div3A : f32 to vector<1x256xf32>
      %div3A_147 = arith.divf %broadcast_in_dim3A_145, %div3A_146 : vector<1x256xf32>
      %sub3A_148 = vector.broadcast %div3A_147 : vector<1x256xf32> to vector<1024x256xf32>
      %sub3A_149 = arith.subf %add3A_142, %sub3A_148 : vector<1024x256xf32>
      %integer_pow3A = arith.mulf %sub3A_149, %sub3A_149 : vector<1024x256xf32>
      %reduce_sum3A_150 = arith.constant dense<0.000000e+00> : vector<256xf32>
      %reduce_sum3A_151 = vector.multi_reduction <add>, %integer_pow3A, %reduce_sum3A_150 [0] : vector<1024x256xf32> to vector<256xf32>
      %broadcast_in_dim3A_152 = vector.shape_cast %reduce_sum3A_151 : vector<256xf32> to vector<1x256xf32>
      %div3A_153 = arith.constant 1.024000e+03 : f32
      %div3A_154 = vector.broadcast %div3A_153 : f32 to vector<1x256xf32>
      %div3A_155 = arith.divf %broadcast_in_dim3A_152, %div3A_154 : vector<1x256xf32>
      %sub3A_156 = vector.broadcast %div3A_147 : vector<1x256xf32> to vector<1024x256xf32>
      %sub3A_157 = arith.subf %add3A_142, %sub3A_156 : vector<1024x256xf32>
      %mul3A_158 = vector.broadcast %get3A_114 : vector<1x256xf32> to vector<1024x256xf32>
      %mul3A_159 = arith.mulf %mul3A_158, %sub3A_157 : vector<1024x256xf32>
      %add3A_160 = arith.constant 9.99999974E-6 : f32
      %add3A_161 = vector.broadcast %add3A_160 : f32 to vector<1x256xf32>
      %add3A_162 = arith.addf %div3A_155, %add3A_161 : vector<1x256xf32>
      %rsqrt3A = math.rsqrt %add3A_162 : vector<1x256xf32>
      %mul3A_163 = vector.broadcast %rsqrt3A : vector<1x256xf32> to vector<1024x256xf32>
      %mul3A_164 = arith.mulf %mul3A_159, %mul3A_163 : vector<1024x256xf32>
      %add3A_165 = vector.broadcast %get3A_117 : vector<1x256xf32> to vector<1024x256xf32>
      %add3A_166 = arith.addf %mul3A_164, %add3A_165 : vector<1024x256xf32>
      %max3A_167 = arith.constant 0.000000e+00 : f32
      %max3A_168 = vector.broadcast %max3A_167 : f32 to vector<1024x256xf32>
      %max3A_169 = arith.maximumf %add3A_166, %max3A_168 : vector<1024x256xf32>
      %add3A_170 = arith.addf %max3A_169, %get3A_105 : vector<1024x256xf32>
      %slice3A_171 = vector.extract_strided_slice %add3A_170 {offsets = [0, 0], sizes = [512, 256], strides = [1, 1]} : vector<1024x256xf32> to vector<512x256xf32>
      %dot_general3A_172 = arith.constant dense<0.000000e+00> : vector<512x64xf32>
      %dot_general3A_173 = tpu.matmul %slice3A_171, %get3A_120, %dot_general3A_172 {dimension_numbers = #tpu.dot_dimension_numbers<[1], [1], [0], [0], [0, 0, 1, 0], [], []>, transpose_lhs_hint = false} : vector<512x256xf32>, vector<64x256xf32>, vector<512x64xf32> -> vector<512x64xf32>
      %dot_general3A_174 = arith.constant dense<0.000000e+00> : vector<512x512xf32>
      %dot_general3A_175 = tpu.matmul %dot_general3A_173, %dot_general3A_173, %dot_general3A_174 {dimension_numbers = #tpu.dot_dimension_numbers<[1], [1], [0], [0], [0, 0, 1, 0], [], []>, transpose_lhs_hint = false} : vector<512x64xf32>, vector<512x64xf32>, vector<512x512xf32> -> vector<512x512xf32>
      %reduce_max3A_176 = arith.constant dense<0xFF800000> : vector<512xf32>
      %reduce_max3A_177 = vector.multi_reduction <maximumf>, %dot_general3A_175, %reduce_max3A_176 [1] : vector<512x512xf32> to vector<512xf32>
      %broadcast_in_dim3A_178 = vector.shape_cast %reduce_max3A_177 : vector<512xf32> to vector<512x1xf32>
      %sub3A_179 = vector.broadcast %broadcast_in_dim3A_178 : vector<512x1xf32> to vector<512x512xf32>
      %sub3A_180 = arith.subf %dot_general3A_175, %sub3A_179 : vector<512x512xf32>
      %exp3A_181 = math.exp %sub3A_180 : vector<512x512xf32>
      %reduce_sum3A_182 = arith.constant dense<0.000000e+00> : vector<512xf32>
      %reduce_sum3A_183 = vector.multi_reduction <add>, %exp3A_181, %reduce_sum3A_182 [1] : vector<512x512xf32> to vector<512xf32>
      %broadcast_in_dim3A_184 = vector.shape_cast %reduce_sum3A_183 : vector<512xf32> to vector<512x1xf32>
      %div3A_185 = vector.broadcast %broadcast_in_dim3A_184 : vector<512x1xf32> to vector<512x512xf32>
      %div3A_186 = arith.divf %exp3A_181, %div3A_185 : vector<512x512xf32>
      %reduce_sum3A_187 = arith.constant dense<0.000000e+00> : vector<512xf32>
      %reduce_sum3A_188 = vector.multi_reduction <add>, %div3A_186, %reduce_sum3A_187 [0] : vector<512x512xf32> to vector<512xf32>
      %broadcast_in_dim3A_189 = vector.shape_cast %reduce_sum3A_188 : vector<512xf32> to vector<1x512xf32>
      %add3A_190 = arith.constant 9.99999971E-10 : f32
      %add3A_191 = vector.broadcast %add3A_190 : f32 to vector<1x512xf32>
      %add3A_192 = arith.addf %add3A_191, %broadcast_in_dim3A_189 : vector<1x512xf32>
      %div3A_193 = vector.broadcast %add3A_192 : vector<1x512xf32> to vector<512x512xf32>
      %div3A_194 = arith.divf %div3A_186, %div3A_193 : vector<512x512xf32>
      %dot_general3A_195 = arith.constant dense<0.000000e+00> : vector<512x256xf32>
      %dot_general3A_196 = tpu.matmul %slice3A_171, %get3A_123, %dot_general3A_195 {dimension_numbers = #tpu.dot_dimension_numbers<[1], [1], [0], [0], [0, 0, 1, 0], [], []>, transpose_lhs_hint = false} : vector<512x256xf32>, vector<256x256xf32>, vector<512x256xf32> -> vector<512x256xf32>
      %add3A_197 = vector.broadcast %get3A_126 : vector<1x256xf32> to vector<512x256xf32>
      %add3A_198 = arith.addf %dot_general3A_196, %add3A_197 : vector<512x256xf32>
      %dot_general3A_199 = arith.constant dense<0.000000e+00> : vector<512x256xf32>
      %dot_general3A_200 = tpu.matmul %div3A_194, %add3A_198, %dot_general3A_199 {dimension_numbers = #tpu.dot_dimension_numbers<[0], [0], [1], [1], [0, 1, 1, 1], [], []>, transpose_lhs_hint = false} : vector<512x512xf32>, vector<512x256xf32>, vector<512x256xf32> -> vector<512x256xf32>
      %sub3A_201 = arith.subf %slice3A_171, %dot_general3A_200 : vector<512x256xf32>
      %dot_general3A_202 = arith.constant dense<0.000000e+00> : vector<512x256xf32>
      %dot_general3A_203 = tpu.matmul %sub3A_201, %get3A_129, %dot_general3A_202 {dimension_numbers = #tpu.dot_dimension_numbers<[1], [1], [0], [0], [0, 0, 1, 0], [], []>, transpose_lhs_hint = false} : vector<512x256xf32>, vector<256x256xf32>, vector<512x256xf32> -> vector<512x256xf32>
      %add3A_204 = vector.broadcast %get3A_132 : vector<1x256xf32> to vector<512x256xf32>
      %add3A_205 = arith.addf %dot_general3A_203, %add3A_204 : vector<512x256xf32>
      %slice3A_206 = vector.extract_strided_slice %add3A_170 {offsets = [512, 0], sizes = [512, 256], strides = [1, 1]} : vector<1024x256xf32> to vector<512x256xf32>
      %dot_general3A_207 = arith.constant dense<0.000000e+00> : vector<512x64xf32>
      %dot_general3A_208 = tpu.matmul %slice3A_206, %get3A_120, %dot_general3A_207 {dimension_numbers = #tpu.dot_dimension_numbers<[1], [1], [0], [0], [0, 0, 1, 0], [], []>, transpose_lhs_hint = false} : vector<512x256xf32>, vector<64x256xf32>, vector<512x64xf32> -> vector<512x64xf32>
      %dot_general3A_209 = arith.constant dense<0.000000e+00> : vector<512x512xf32>
      %dot_general3A_210 = tpu.matmul %dot_general3A_208, %dot_general3A_208, %dot_general3A_209 {dimension_numbers = #tpu.dot_dimension_numbers<[1], [1], [0], [0], [0, 0, 1, 0], [], []>, transpose_lhs_hint = false} : vector<512x64xf32>, vector<512x64xf32>, vector<512x512xf32> -> vector<512x512xf32>
      %reduce_max3A_211 = arith.constant dense<0xFF800000> : vector<512xf32>
      %reduce_max3A_212 = vector.multi_reduction <maximumf>, %dot_general3A_210, %reduce_max3A_211 [1] : vector<512x512xf32> to vector<512xf32>
      %broadcast_in_dim3A_213 = vector.shape_cast %reduce_max3A_212 : vector<512xf32> to vector<512x1xf32>
      %sub3A_214 = vector.broadcast %broadcast_in_dim3A_213 : vector<512x1xf32> to vector<512x512xf32>
      %sub3A_215 = arith.subf %dot_general3A_210, %sub3A_214 : vector<512x512xf32>
      %exp3A_216 = math.exp %sub3A_215 : vector<512x512xf32>
      %reduce_sum3A_217 = arith.constant dense<0.000000e+00> : vector<512xf32>
      %reduce_sum3A_218 = vector.multi_reduction <add>, %exp3A_216, %reduce_sum3A_217 [1] : vector<512x512xf32> to vector<512xf32>
      %broadcast_in_dim3A_219 = vector.shape_cast %reduce_sum3A_218 : vector<512xf32> to vector<512x1xf32>
      %div3A_220 = vector.broadcast %broadcast_in_dim3A_219 : vector<512x1xf32> to vector<512x512xf32>
      %div3A_221 = arith.divf %exp3A_216, %div3A_220 : vector<512x512xf32>
      %reduce_sum3A_222 = arith.constant dense<0.000000e+00> : vector<512xf32>
      %reduce_sum3A_223 = vector.multi_reduction <add>, %div3A_221, %reduce_sum3A_222 [0] : vector<512x512xf32> to vector<512xf32>
      %broadcast_in_dim3A_224 = vector.shape_cast %reduce_sum3A_223 : vector<512xf32> to vector<1x512xf32>
      %add3A_225 = arith.constant 9.99999971E-10 : f32
      %add3A_226 = vector.broadcast %add3A_225 : f32 to vector<1x512xf32>
      %add3A_227 = arith.addf %add3A_226, %broadcast_in_dim3A_224 : vector<1x512xf32>
      %div3A_228 = vector.broadcast %add3A_227 : vector<1x512xf32> to vector<512x512xf32>
      %div3A_229 = arith.divf %div3A_221, %div3A_228 : vector<512x512xf32>
      %dot_general3A_230 = arith.constant dense<0.000000e+00> : vector<512x256xf32>
      %dot_general3A_231 = tpu.matmul %slice3A_206, %get3A_123, %dot_general3A_230 {dimension_numbers = #tpu.dot_dimension_numbers<[1], [1], [0], [0], [0, 0, 1, 0], [], []>, transpose_lhs_hint = false} : vector<512x256xf32>, vector<256x256xf32>, vector<512x256xf32> -> vector<512x256xf32>
      %add3A_232 = vector.broadcast %get3A_126 : vector<1x256xf32> to vector<512x256xf32>
      %add3A_233 = arith.addf %dot_general3A_231, %add3A_232 : vector<512x256xf32>
      %dot_general3A_234 = arith.constant dense<0.000000e+00> : vector<512x256xf32>
      %dot_general3A_235 = tpu.matmul %div3A_229, %add3A_233, %dot_general3A_234 {dimension_numbers = #tpu.dot_dimension_numbers<[0], [0], [1], [1], [0, 1, 1, 1], [], []>, transpose_lhs_hint = false} : vector<512x512xf32>, vector<512x256xf32>, vector<512x256xf32> -> vector<512x256xf32>
      %sub3A_236 = arith.subf %slice3A_206, %dot_general3A_235 : vector<512x256xf32>
      %dot_general3A_237 = arith.constant dense<0.000000e+00> : vector<512x256xf32>
      %dot_general3A_238 = tpu.matmul %sub3A_236, %get3A_129, %dot_general3A_237 {dimension_numbers = #tpu.dot_dimension_numbers<[1], [1], [0], [0], [0, 0, 1, 0], [], []>, transpose_lhs_hint = false} : vector<512x256xf32>, vector<256x256xf32>, vector<512x256xf32> -> vector<512x256xf32>
      %add3A_239 = vector.broadcast %get3A_132 : vector<1x256xf32> to vector<512x256xf32>
      %add3A_240 = arith.addf %dot_general3A_238, %add3A_239 : vector<512x256xf32>
      %concatenate3A_241 = tpu.concatenate %add3A_205, %add3A_240 in 0 : vector<512x256xf32>, vector<512x256xf32> -> vector<1024x256xf32>
      %reduce_sum3A_242 = arith.constant dense<0.000000e+00> : vector<256xf32>
      %reduce_sum3A_243 = vector.multi_reduction <add>, %concatenate3A_241, %reduce_sum3A_242 [0] : vector<1024x256xf32> to vector<256xf32>
      %broadcast_in_dim3A_244 = vector.shape_cast %reduce_sum3A_243 : vector<256xf32> to vector<1x256xf32>
      %div3A_245 = arith.constant 1.024000e+03 : f32
      %div3A_246 = vector.broadcast %div3A_245 : f32 to vector<1x256xf32>
      %div3A_247 = arith.divf %broadcast_in_dim3A_244, %div3A_246 : vector<1x256xf32>
      %sub3A_248 = vector.broadcast %div3A_247 : vector<1x256xf32> to vector<1024x256xf32>
      %sub3A_249 = arith.subf %concatenate3A_241, %sub3A_248 : vector<1024x256xf32>
      %integer_pow3A_250 = arith.mulf %sub3A_249, %sub3A_249 : vector<1024x256xf32>
      %reduce_sum3A_251 = arith.constant dense<0.000000e+00> : vector<256xf32>
      %reduce_sum3A_252 = vector.multi_reduction <add>, %integer_pow3A_250, %reduce_sum3A_251 [0] : vector<1024x256xf32> to vector<256xf32>
      %broadcast_in_dim3A_253 = vector.shape_cast %reduce_sum3A_252 : vector<256xf32> to vector<1x256xf32>
      %div3A_254 = arith.constant 1.024000e+03 : f32
      %div3A_255 = vector.broadcast %div3A_254 : f32 to vector<1x256xf32>
      %div3A_256 = arith.divf %broadcast_in_dim3A_253, %div3A_255 : vector<1x256xf32>
      %sub3A_257 = vector.broadcast %div3A_247 : vector<1x256xf32> to vector<1024x256xf32>
      %sub3A_258 = arith.subf %concatenate3A_241, %sub3A_257 : vector<1024x256xf32>
      %mul3A_259 = vector.broadcast %get3A_135 : vector<1x256xf32> to vector<1024x256xf32>
      %mul3A_260 = arith.mulf %mul3A_259, %sub3A_258 : vector<1024x256xf32>
      %add3A_261 = arith.constant 9.99999974E-6 : f32
      %add3A_262 = vector.broadcast %add3A_261 : f32 to vector<1x256xf32>
      %add3A_263 = arith.addf %div3A_256, %add3A_262 : vector<1x256xf32>
      %rsqrt3A_264 = math.rsqrt %add3A_263 : vector<1x256xf32>
      %mul3A_265 = vector.broadcast %rsqrt3A_264 : vector<1x256xf32> to vector<1024x256xf32>
      %mul3A_266 = arith.mulf %mul3A_260, %mul3A_265 : vector<1024x256xf32>
      %add3A_267 = vector.broadcast %get3A_138 : vector<1x256xf32> to vector<1024x256xf32>
      %add3A_268 = arith.addf %mul3A_266, %add3A_267 : vector<1024x256xf32>
      %max3A_269 = arith.constant 0.000000e+00 : f32
      %max3A_270 = vector.broadcast %max3A_269 : f32 to vector<1024x256xf32>
      %max3A_271 = arith.maximumf %add3A_268, %max3A_270 : vector<1024x256xf32>
      %add3A_272 = arith.addf %add3A_170, %max3A_271 : vector<1024x256xf32>
      %reshape3A_273 = vector.shape_cast %add3A_272 : vector<1024x256xf32> to vector<2x512x256xf32>
      %swap3A_274 = arith.constant 0 : index
      %swap3A_275 = arith.constant 0 : index
      %swap3A_276 = arith.constant 0 : index
      %swap3A_277 = vector.load %arg26[%swap3A_274, %swap3A_275, %swap3A_276] : memref<2x512x256xf32, #tpu.memory_space<vmem>>, vector<2x512x256xf32>
      tpu.vector_store %arg26[%swap3A_274, %swap3A_275, %swap3A_276], %reshape3A_273 {strides = array<i32>} : memref<2x512x256xf32, #tpu.memory_space<vmem>>, vector<2x512x256xf32>,
    } else {
    }
    return
  }
  func.func @transform_1(%arg0: i32) -> (i32, i32) {
    %c0_i32 = arith.constant 0 : i32
    %c0_i32_0 = arith.constant 0 : i32
    return %arg0, %c0_i32 : i32, i32
  }
  func.func @transform_2(%arg0: i32) -> (i32, i32) {
    %add3A = arith.constant 4 : i32
    %add3A_0 = arith.addi %arg0, %add3A : i32
    %c0_i32 = arith.constant 0 : i32
    %c0_i32_1 = arith.constant 0 : i32
    return %add3A_0, %c0_i32 : i32, i32
  }
  func.func @transform_3(%arg0: i32) -> (i32, i32) {
    %add3A = arith.constant 4 : i32
    %add3A_0 = arith.addi %arg0, %add3A : i32
    %c0_i32 = arith.constant 0 : i32
    %c0_i32_1 = arith.constant 0 : i32
    return %add3A_0, %c0_i32 : i32, i32
  }
  func.func @transform_4(%arg0: i32) -> (i32, i32) {
    %c0_i32 = arith.constant 0 : i32
    %c0_i32_0 = arith.constant 0 : i32
    %c0_i32_1 = arith.constant 0 : i32
    return %c0_i32, %c0_i32_0 : i32, i32
  }
  func.func @transform_5(%arg0: i32) -> (i32, i32) {
    %c0_i32 = arith.constant 0 : i32
    %c0_i32_0 = arith.constant 0 : i32
    %c0_i32_1 = arith.constant 0 : i32
    return %c0_i32, %c0_i32_0 : i32, i32
  }
  func.func @transform_6(%arg0: i32) -> (i32, i32) {
    %c0_i32 = arith.constant 0 : i32
    %c0_i32_0 = arith.constant 0 : i32
    %c0_i32_1 = arith.constant 0 : i32
    return %c0_i32, %c0_i32_0 : i32, i32
  }
  func.func @transform_7(%arg0: i32) -> (i32, i32) {
    %c0_i32 = arith.constant 0 : i32
    %c0_i32_0 = arith.constant 0 : i32
    %c0_i32_1 = arith.constant 0 : i32
    return %c0_i32, %c0_i32_0 : i32, i32
  }
  func.func @transform_8(%arg0: i32) -> (i32, i32) {
    %c0_i32 = arith.constant 0 : i32
    %c0_i32_0 = arith.constant 0 : i32
    %c0_i32_1 = arith.constant 0 : i32
    return %c0_i32, %c0_i32_0 : i32, i32
  }
  func.func @transform_9(%arg0: i32) -> (i32, i32) {
    %c0_i32 = arith.constant 0 : i32
    %c0_i32_0 = arith.constant 0 : i32
    %c0_i32_1 = arith.constant 0 : i32
    return %c0_i32, %c0_i32_0 : i32, i32
  }
  func.func @transform_10(%arg0: i32) -> (i32, i32) {
    %c0_i32 = arith.constant 0 : i32
    %c0_i32_0 = arith.constant 0 : i32
    %c0_i32_1 = arith.constant 0 : i32
    return %c0_i32, %c0_i32_0 : i32, i32
  }
  func.func @transform_11(%arg0: i32) -> (i32, i32) {
    %c0_i32 = arith.constant 0 : i32
    %c0_i32_0 = arith.constant 0 : i32
    %c0_i32_1 = arith.constant 0 : i32
    return %c0_i32, %c0_i32_0 : i32, i32
  }
  func.func @transform_12(%arg0: i32) -> (i32, i32) {
    %c0_i32 = arith.constant 0 : i32
    %c0_i32_0 = arith.constant 0 : i32
    %c0_i32_1 = arith.constant 0 : i32
    return %c0_i32, %c0_i32_0 : i32, i32
  }
  func.func @transform_13(%arg0: i32) -> (i32, i32) {
    %c0_i32 = arith.constant 0 : i32
    %c0_i32_0 = arith.constant 0 : i32
    %c0_i32_1 = arith.constant 0 : i32
    return %c0_i32, %c0_i32_0 : i32, i32
  }
  func.func @transform_14(%arg0: i32) -> (i32, i32) {
    %c0_i32 = arith.constant 0 : i32
    %c0_i32_0 = arith.constant 0 : i32
    %c0_i32_1 = arith.constant 0 : i32
    return %c0_i32, %c0_i32_0 : i32, i32
  }
  func.func @transform_15(%arg0: i32) -> (i32, i32) {
    %c0_i32 = arith.constant 0 : i32
    %c0_i32_0 = arith.constant 0 : i32
    %c0_i32_1 = arith.constant 0 : i32
    return %c0_i32, %c0_i32_0 : i32, i32
  }
  func.func @transform_16(%arg0: i32) -> (i32, i32) {
    %c0_i32 = arith.constant 0 : i32
    %c0_i32_0 = arith.constant 0 : i32
    %c0_i32_1 = arith.constant 0 : i32
    return %c0_i32, %c0_i32_0 : i32, i32
  }
  func.func @transform_17(%arg0: i32) -> (i32, i32) {
    %c0_i32 = arith.constant 0 : i32
    %c0_i32_0 = arith.constant 0 : i32
    %c0_i32_1 = arith.constant 0 : i32
    return %c0_i32, %c0_i32_0 : i32, i32
  }
  func.func @transform_18(%arg0: i32) -> (i32, i32) {
    %c0_i32 = arith.constant 0 : i32
    %c0_i32_0 = arith.constant 0 : i32
    %c0_i32_1 = arith.constant 0 : i32
    return %c0_i32, %c0_i32_0 : i32, i32
  }
  func.func @transform_19(%arg0: i32) -> (i32, i32) {
    %c0_i32 = arith.constant 0 : i32
    %c0_i32_0 = arith.constant 0 : i32
    %c0_i32_1 = arith.constant 0 : i32
    return %c0_i32, %c0_i32_0 : i32, i32
  }
  func.func @transform_20(%arg0: i32) -> (i32, i32) {
    %c0_i32 = arith.constant 0 : i32
    %c0_i32_0 = arith.constant 0 : i32
    %c0_i32_1 = arith.constant 0 : i32
    return %c0_i32, %c0_i32_0 : i32, i32
  }
  func.func @transform_21(%arg0: i32) -> (i32, i32) {
    %c0_i32 = arith.constant 0 : i32
    %c0_i32_0 = arith.constant 0 : i32
    %c0_i32_1 = arith.constant 0 : i32
    return %c0_i32, %c0_i32_0 : i32, i32
  }
  func.func @transform_22(%arg0: i32) -> (i32, i32) {
    %c0_i32 = arith.constant 0 : i32
    %c0_i32_0 = arith.constant 0 : i32
    %c0_i32_1 = arith.constant 0 : i32
    return %c0_i32, %c0_i32_0 : i32, i32
  }
  func.func @transform_23(%arg0: i32) -> (i32, i32) {
    %c0_i32 = arith.constant 0 : i32
    %c0_i32_0 = arith.constant 0 : i32
    %c0_i32_1 = arith.constant 0 : i32
    return %c0_i32, %c0_i32_0 : i32, i32
  }
  func.func @transform_24(%arg0: i32) -> (i32, i32, i32, i32) {
    %c1_i32 = arith.constant 1 : i32
    %c0_i32 = arith.constant 0 : i32
    %c0_i32_0 = arith.constant 0 : i32
    %c0_i32_1 = arith.constant 0 : i32
    return %c1_i32, %arg0, %c0_i32, %c0_i32_0 : i32, i32, i32, i32
  }
  func.func @transform_25(%arg0: i32) -> (i32, i32, i32) {
    %c0_i32 = arith.constant 0 : i32
    %c0_i32_0 = arith.constant 0 : i32
    %c0_i32_1 = arith.constant 0 : i32
    %c0_i32_2 = arith.constant 0 : i32
    return %c0_i32, %c0_i32_0, %c0_i32_1 : i32, i32, i32
  }
}

module attributes {stable_mosaic.version = 14 : i64} {
  func.func @_stage_c0_body(%arg0: i32, %arg1: memref<1x128x16xi32, #tpu.memory_space<vmem>>, %arg2: memref<1x512x768xbf16, #tpu.memory_space<vmem>>, %arg3: memref<128x256xf32, #tpu.memory_space<vmem>>, %arg4: memref<128x256xf32, #tpu.memory_space<vmem>>, %arg5: memref<256x256xf32, #tpu.memory_space<vmem>>, %arg6: memref<1x256xf32, #tpu.memory_space<vmem>>, %arg7: memref<1x256xf32, #tpu.memory_space<vmem>>, %arg8: memref<256x256xf32, #tpu.memory_space<vmem>>, %arg9: memref<1x256xf32, #tpu.memory_space<vmem>>, %arg10: memref<256x256xf32, #tpu.memory_space<vmem>>, %arg11: memref<1x256xf32, #tpu.memory_space<vmem>>, %arg12: memref<1x128x16x256xf32, #tpu.memory_space<vmem>>, %arg13: memref<128x256xf32, #tpu.memory_space<vmem>>) attributes {dimension_semantics = [#tpu.dimension_semantics<arbitrary>], iteration_bounds = array<i64: 4>, scalar_prefetch = 0 : i64, scratch_operands = 0 : i64, tpu.core_type = #tpu.core_type<tc>, window_params = [{transform_indices = @transform_0, window_bounds = array<i64: 1, 128, 16>}, {transform_indices = @transform_1, window_bounds = array<i64: 1, 512, 768>}, {transform_indices = @transform_2, window_bounds = array<i64: 128, 256>}, {transform_indices = @transform_3, window_bounds = array<i64: 128, 256>}, {pipeline_mode = #tpu.pipeline_mode<synchronous>, transform_indices = @transform_4, window_bounds = array<i64: 256, 256>}, {pipeline_mode = #tpu.pipeline_mode<synchronous>, transform_indices = @transform_5, window_bounds = array<i64: 1, 256>}, {pipeline_mode = #tpu.pipeline_mode<synchronous>, transform_indices = @transform_6, window_bounds = array<i64: 1, 256>}, {pipeline_mode = #tpu.pipeline_mode<synchronous>, transform_indices = @transform_7, window_bounds = array<i64: 256, 256>}, {pipeline_mode = #tpu.pipeline_mode<synchronous>, transform_indices = @transform_8, window_bounds = array<i64: 1, 256>}, {pipeline_mode = #tpu.pipeline_mode<synchronous>, transform_indices = @transform_9, window_bounds = array<i64: 256, 256>}, {pipeline_mode = #tpu.pipeline_mode<synchronous>, transform_indices = @transform_10, window_bounds = array<i64: 1, 256>}, {transform_indices = @transform_11, window_bounds = array<i64: 1, 128, 16, 256>}, {transform_indices = @transform_12, window_bounds = array<i64: 128, 256>}]} {
    %get3A = arith.constant 0 : index
    %get3A_0 = arith.constant 0 : index
    %get3A_1 = arith.constant 0 : index
    %get3A_2 = vector.load %arg1[%get3A, %get3A_0, %get3A_1] : memref<1x128x16xi32, #tpu.memory_space<vmem>>, vector<1x128x16xi32>
    %get3A_3 = vector.shape_cast %get3A_2 : vector<1x128x16xi32> to vector<128x16xi32>
    %broadcast_in_dim3A = vector.shape_cast %get3A_3 : vector<128x16xi32> to vector<128x16x1xi32>
    %iota3A = tpu.iota {dimensions = array<i32: 2>} : vector<1x1x512xi32>
    %eq3A = vector.broadcast %broadcast_in_dim3A : vector<128x16x1xi32> to vector<128x16x512xi32>
    %eq3A_4 = vector.broadcast %iota3A : vector<1x1x512xi32> to vector<128x16x512xi32>
    %eq3A_5 = arith.cmpi eq, %eq3A, %eq3A_4 : vector<128x16x512xi32>
    %convert_element_type3A = arith.extui %eq3A_5 : vector<128x16x512xi1> to vector<128x16x512xi32>
    %convert_element_type3A_6 = arith.sitofp %convert_element_type3A : vector<128x16x512xi32> to vector<128x16x512xf32>
    %convert_element_type3A_7 = arith.truncf %convert_element_type3A_6 : vector<128x16x512xf32> to vector<128x16x512xbf16>
    %reshape3A = vector.shape_cast %convert_element_type3A_7 : vector<128x16x512xbf16> to vector<2048x512xbf16>
    %get3A_8 = arith.constant 0 : index
    %get3A_9 = arith.constant 0 : index
    %get3A_10 = arith.constant 0 : index
    %get3A_11 = vector.load %arg2[%get3A_8, %get3A_9, %get3A_10] : memref<1x512x768xbf16, #tpu.memory_space<vmem>>, vector<1x512x768xbf16>
    %get3A_12 = vector.shape_cast %get3A_11 : vector<1x512x768xbf16> to vector<512x768xbf16>
    %dot_general3A = arith.constant dense<0.000000e+00> : vector<2048x768xf32>
    %dot_general3A_13 = tpu.matmul %reshape3A, %get3A_12, %dot_general3A {dimension_numbers = #tpu.dot_dimension_numbers<[1], [0], [0], [1], [0, 0, 1, 1], [], []>, transpose_lhs_hint = false} : vector<2048x512xbf16>, vector<512x768xbf16>, vector<2048x768xf32> -> vector<2048x768xf32>
    %get3A_14 = arith.constant 0 : index
    %get3A_15 = arith.constant 0 : index
    %get3A_16 = vector.load %arg3[%get3A_14, %get3A_15] : memref<128x256xf32, #tpu.memory_space<vmem>>, vector<128x256xf32>
    %get3A_17 = arith.constant 0 : index
    %get3A_18 = arith.constant 0 : index
    %get3A_19 = vector.load %arg4[%get3A_17, %get3A_18] : memref<128x256xf32, #tpu.memory_space<vmem>>, vector<128x256xf32>
    %broadcast_in_dim3A_20 = vector.shape_cast %get3A_16 : vector<128x256xf32> to vector<128x1x256xf32>
    %broadcast_in_dim3A_21 = vector.shape_cast %broadcast_in_dim3A_20 : vector<128x1x256xf32> to vector<128x1x256xf32>
    %broadcast_in_dim3A_22 = vector.broadcast %broadcast_in_dim3A_21 : vector<128x1x256xf32> to vector<128x16x256xf32>
    %reshape3A_23 = vector.shape_cast %broadcast_in_dim3A_22 : vector<128x16x256xf32> to vector<2048x256xf32>
    %broadcast_in_dim3A_24 = vector.shape_cast %get3A_19 : vector<128x256xf32> to vector<128x1x256xf32>
    %broadcast_in_dim3A_25 = vector.shape_cast %broadcast_in_dim3A_24 : vector<128x1x256xf32> to vector<128x1x256xf32>
    %broadcast_in_dim3A_26 = vector.broadcast %broadcast_in_dim3A_25 : vector<128x1x256xf32> to vector<128x16x256xf32>
    %reshape3A_27 = vector.shape_cast %broadcast_in_dim3A_26 : vector<128x16x256xf32> to vector<2048x256xf32>
    %slice3A = vector.extract_strided_slice %dot_general3A_13 {offsets = [0, 0], sizes = [2048, 256], strides = [1, 1]} : vector<2048x768xf32> to vector<2048x256xf32>
    %add3A = arith.addf %slice3A, %reshape3A_23 : vector<2048x256xf32>
    %get3A_28 = arith.constant 0 : index
    %get3A_29 = arith.constant 0 : index
    %get3A_30 = vector.load %arg6[%get3A_28, %get3A_29] : memref<1x256xf32, #tpu.memory_space<vmem>>, vector<1x256xf32>
    %add3A_31 = vector.broadcast %get3A_30 : vector<1x256xf32> to vector<2048x256xf32>
    %add3A_32 = arith.addf %add3A, %add3A_31 : vector<2048x256xf32>
    %max3A = arith.constant 0.000000e+00 : f32
    %max3A_33 = vector.broadcast %max3A : f32 to vector<2048x256xf32>
    %max3A_34 = arith.maximumf %add3A_32, %max3A_33 : vector<2048x256xf32>
    %convert_element_type3A_35 = arith.truncf %max3A_34 : vector<2048x256xf32> to vector<2048x256xbf16>
    %get3A_36 = arith.constant 0 : index
    %get3A_37 = arith.constant 0 : index
    %get3A_38 = vector.load %arg5[%get3A_36, %get3A_37] : memref<256x256xf32, #tpu.memory_space<vmem>>, vector<256x256xf32>
    %convert_element_type3A_39 = arith.truncf %get3A_38 : vector<256x256xf32> to vector<256x256xbf16>
    %dot_general3A_40 = arith.constant dense<0.000000e+00> : vector<2048x256xf32>
    %dot_general3A_41 = tpu.matmul %convert_element_type3A_35, %convert_element_type3A_39, %dot_general3A_40 {dimension_numbers = #tpu.dot_dimension_numbers<[1], [1], [0], [0], [0, 0, 1, 0], [], []>, transpose_lhs_hint = false} : vector<2048x256xbf16>, vector<256x256xbf16>, vector<2048x256xf32> -> vector<2048x256xf32>
    %get3A_42 = arith.constant 0 : index
    %get3A_43 = arith.constant 0 : index
    %get3A_44 = vector.load %arg7[%get3A_42, %get3A_43] : memref<1x256xf32, #tpu.memory_space<vmem>>, vector<1x256xf32>
    %add3A_45 = vector.broadcast %get3A_44 : vector<1x256xf32> to vector<2048x256xf32>
    %add3A_46 = arith.addf %dot_general3A_41, %add3A_45 : vector<2048x256xf32>
    %slice3A_47 = vector.extract_strided_slice %dot_general3A_13 {offsets = [0, 256], sizes = [2048, 256], strides = [1, 1]} : vector<2048x768xf32> to vector<2048x256xf32>
    %sub3A = arith.subf %reshape3A_27, %slice3A_47 : vector<2048x256xf32>
    %add3A_48 = arith.addf %sub3A, %add3A_46 : vector<2048x256xf32>
    %convert_element_type3A_49 = arith.truncf %add3A_48 : vector<2048x256xf32> to vector<2048x256xbf16>
    %get3A_50 = arith.constant 0 : index
    %get3A_51 = arith.constant 0 : index
    %get3A_52 = vector.load %arg8[%get3A_50, %get3A_51] : memref<256x256xf32, #tpu.memory_space<vmem>>, vector<256x256xf32>
    %convert_element_type3A_53 = arith.truncf %get3A_52 : vector<256x256xf32> to vector<256x256xbf16>
    %dot_general3A_54 = arith.constant dense<0.000000e+00> : vector<2048x256xf32>
    %dot_general3A_55 = tpu.matmul %convert_element_type3A_49, %convert_element_type3A_53, %dot_general3A_54 {dimension_numbers = #tpu.dot_dimension_numbers<[1], [1], [0], [0], [0, 0, 1, 0], [], []>, transpose_lhs_hint = false} : vector<2048x256xbf16>, vector<256x256xbf16>, vector<2048x256xf32> -> vector<2048x256xf32>
    %get3A_56 = arith.constant 0 : index
    %get3A_57 = arith.constant 0 : index
    %get3A_58 = vector.load %arg9[%get3A_56, %get3A_57] : memref<1x256xf32, #tpu.memory_space<vmem>>, vector<1x256xf32>
    %add3A_59 = vector.broadcast %get3A_58 : vector<1x256xf32> to vector<2048x256xf32>
    %add3A_60 = arith.addf %dot_general3A_55, %add3A_59 : vector<2048x256xf32>
    %max3A_61 = arith.constant 0.000000e+00 : f32
    %max3A_62 = vector.broadcast %max3A_61 : f32 to vector<2048x256xf32>
    %max3A_63 = arith.maximumf %add3A_60, %max3A_62 : vector<2048x256xf32>
    %convert_element_type3A_64 = arith.truncf %max3A_63 : vector<2048x256xf32> to vector<2048x256xbf16>
    %get3A_65 = arith.constant 0 : index
    %get3A_66 = arith.constant 0 : index
    %get3A_67 = vector.load %arg10[%get3A_65, %get3A_66] : memref<256x256xf32, #tpu.memory_space<vmem>>, vector<256x256xf32>
    %convert_element_type3A_68 = arith.truncf %get3A_67 : vector<256x256xf32> to vector<256x256xbf16>
    %dot_general3A_69 = arith.constant dense<0.000000e+00> : vector<2048x256xf32>
    %dot_general3A_70 = tpu.matmul %convert_element_type3A_64, %convert_element_type3A_68, %dot_general3A_69 {dimension_numbers = #tpu.dot_dimension_numbers<[1], [1], [0], [0], [0, 0, 1, 0], [], []>, transpose_lhs_hint = false} : vector<2048x256xbf16>, vector<256x256xbf16>, vector<2048x256xf32> -> vector<2048x256xf32>
    %get3A_71 = arith.constant 0 : index
    %get3A_72 = arith.constant 0 : index
    %get3A_73 = vector.load %arg11[%get3A_71, %get3A_72] : memref<1x256xf32, #tpu.memory_space<vmem>>, vector<1x256xf32>
    %add3A_74 = vector.broadcast %get3A_73 : vector<1x256xf32> to vector<2048x256xf32>
    %add3A_75 = arith.addf %dot_general3A_70, %add3A_74 : vector<2048x256xf32>
    %mul3A = arith.constant 6.250000e-02 : f32
    %mul3A_76 = vector.broadcast %mul3A : f32 to vector<2048x256xf32>
    %mul3A_77 = arith.mulf %add3A_75, %mul3A_76 : vector<2048x256xf32>
    %reshape3A_78 = vector.shape_cast %mul3A_77 : vector<2048x256xf32> to vector<128x16x256xf32>
    %reduce_max3A = arith.constant dense<0xFF800000> : vector<128x256xf32>
    %reduce_max3A_79 = vector.multi_reduction <maximumf>, %reshape3A_78, %reduce_max3A [1] : vector<128x16x256xf32> to vector<128x256xf32>
    %broadcast_in_dim3A_80 = vector.shape_cast %reduce_max3A_79 : vector<128x256xf32> to vector<128x1x256xf32>
    %sub3A_81 = vector.broadcast %broadcast_in_dim3A_80 : vector<128x1x256xf32> to vector<128x16x256xf32>
    %sub3A_82 = arith.subf %reshape3A_78, %sub3A_81 : vector<128x16x256xf32>
    %exp3A = math.exp %sub3A_82 : vector<128x16x256xf32>
    %reduce_sum3A = arith.constant dense<0.000000e+00> : vector<128x256xf32>
    %reduce_sum3A_83 = vector.multi_reduction <add>, %exp3A, %reduce_sum3A [1] : vector<128x16x256xf32> to vector<128x256xf32>
    %broadcast_in_dim3A_84 = vector.shape_cast %reduce_sum3A_83 : vector<128x256xf32> to vector<128x1x256xf32>
    %log3A = math.log %broadcast_in_dim3A_84 : vector<128x1x256xf32>
    %sub3A_85 = vector.broadcast %log3A : vector<128x1x256xf32> to vector<128x16x256xf32>
    %sub3A_86 = arith.subf %sub3A_82, %sub3A_85 : vector<128x16x256xf32>
    %slice3A_87 = vector.extract_strided_slice %dot_general3A_13 {offsets = [0, 512], sizes = [2048, 256], strides = [1, 1]} : vector<2048x768xf32> to vector<2048x256xf32>
    %add3A_88 = arith.addf %slice3A_87, %add3A_46 : vector<2048x256xf32>
    %reshape3A_89 = vector.shape_cast %add3A_88 : vector<2048x256xf32> to vector<128x16x256xf32>
    %reshape3A_90 = vector.shape_cast %sub3A_86 : vector<128x16x256xf32> to vector<1x128x16x256xf32>
    %mul3A_91 = arith.mulf %sub3A_86, %reshape3A_89 : vector<128x16x256xf32>
    %reduce_sum3A_92 = arith.constant dense<0.000000e+00> : vector<128x256xf32>
    %reduce_sum3A_93 = vector.multi_reduction <add>, %mul3A_91, %reduce_sum3A_92 [1] : vector<128x16x256xf32> to vector<128x256xf32>
    %swap3A = arith.constant 0 : index
    %swap3A_94 = arith.constant 0 : index
    %swap3A_95 = arith.constant 0 : index
    %swap3A_96 = arith.constant 0 : index
    %swap3A_97 = vector.load %arg12[%swap3A, %swap3A_94, %swap3A_95, %swap3A_96] : memref<1x128x16x256xf32, #tpu.memory_space<vmem>>, vector<1x128x16x256xf32>
    tpu.vector_store %arg12[%swap3A, %swap3A_94, %swap3A_95, %swap3A_96], %reshape3A_90 {strides = array<i32>} : memref<1x128x16x256xf32, #tpu.memory_space<vmem>>, vector<1x128x16x256xf32>,
    %swap3A_98 = arith.constant 0 : index
    %swap3A_99 = arith.constant 0 : index
    %swap3A_100 = vector.load %arg13[%swap3A_98, %swap3A_99] : memref<128x256xf32, #tpu.memory_space<vmem>>, vector<128x256xf32>
    tpu.vector_store %arg13[%swap3A_98, %swap3A_99], %reduce_sum3A_93 {strides = array<i32>} : memref<128x256xf32, #tpu.memory_space<vmem>>, vector<128x256xf32>,
    return
  }
  func.func @transform_0(%arg0: i32) -> (i32, i32, i32) {
    %c0_i32 = arith.constant 0 : i32
    %c0_i32_0 = arith.constant 0 : i32
    %c0_i32_1 = arith.constant 0 : i32
    return %c0_i32, %arg0, %c0_i32_0 : i32, i32, i32
  }
  func.func @transform_1(%arg0: i32) -> (i32, i32, i32) {
    %c0_i32 = arith.constant 0 : i32
    %c0_i32_0 = arith.constant 0 : i32
    %c0_i32_1 = arith.constant 0 : i32
    %c0_i32_2 = arith.constant 0 : i32
    return %c0_i32, %c0_i32_0, %c0_i32_1 : i32, i32, i32
  }
  func.func @transform_2(%arg0: i32) -> (i32, i32) {
    %c0_i32 = arith.constant 0 : i32
    %c0_i32_0 = arith.constant 0 : i32
    return %arg0, %c0_i32 : i32, i32
  }
  func.func @transform_3(%arg0: i32) -> (i32, i32) {
    %c0_i32 = arith.constant 0 : i32
    %c0_i32_0 = arith.constant 0 : i32
    return %arg0, %c0_i32 : i32, i32
  }
  func.func @transform_4(%arg0: i32) -> (i32, i32) {
    %c0_i32 = arith.constant 0 : i32
    %c0_i32_0 = arith.constant 0 : i32
    %c0_i32_1 = arith.constant 0 : i32
    return %c0_i32, %c0_i32_0 : i32, i32
  }
  func.func @transform_5(%arg0: i32) -> (i32, i32) {
    %c0_i32 = arith.constant 0 : i32
    %c0_i32_0 = arith.constant 0 : i32
    %c0_i32_1 = arith.constant 0 : i32
    return %c0_i32, %c0_i32_0 : i32, i32
  }
  func.func @transform_6(%arg0: i32) -> (i32, i32) {
    %c0_i32 = arith.constant 0 : i32
    %c0_i32_0 = arith.constant 0 : i32
    %c0_i32_1 = arith.constant 0 : i32
    return %c0_i32, %c0_i32_0 : i32, i32
  }
  func.func @transform_7(%arg0: i32) -> (i32, i32) {
    %c0_i32 = arith.constant 0 : i32
    %c0_i32_0 = arith.constant 0 : i32
    %c0_i32_1 = arith.constant 0 : i32
    return %c0_i32, %c0_i32_0 : i32, i32
  }
  func.func @transform_8(%arg0: i32) -> (i32, i32) {
    %c0_i32 = arith.constant 0 : i32
    %c0_i32_0 = arith.constant 0 : i32
    %c0_i32_1 = arith.constant 0 : i32
    return %c0_i32, %c0_i32_0 : i32, i32
  }
  func.func @transform_9(%arg0: i32) -> (i32, i32) {
    %c0_i32 = arith.constant 0 : i32
    %c0_i32_0 = arith.constant 0 : i32
    %c0_i32_1 = arith.constant 0 : i32
    return %c0_i32, %c0_i32_0 : i32, i32
  }
  func.func @transform_10(%arg0: i32) -> (i32, i32) {
    %c0_i32 = arith.constant 0 : i32
    %c0_i32_0 = arith.constant 0 : i32
    %c0_i32_1 = arith.constant 0 : i32
    return %c0_i32, %c0_i32_0 : i32, i32
  }
  func.func @transform_11(%arg0: i32) -> (i32, i32, i32, i32) {
    %c0_i32 = arith.constant 0 : i32
    %c0_i32_0 = arith.constant 0 : i32
    %c0_i32_1 = arith.constant 0 : i32
    %c0_i32_2 = arith.constant 0 : i32
    return %c0_i32, %arg0, %c0_i32_0, %c0_i32_1 : i32, i32, i32, i32
  }
  func.func @transform_12(%arg0: i32) -> (i32, i32) {
    %c0_i32 = arith.constant 0 : i32
    %c0_i32_0 = arith.constant 0 : i32
    return %arg0, %c0_i32 : i32, i32
  }
}

</mosaic_0001>

<sc_bundles>
// kernel: kernel.7.cloned.1.call-start
scs
__scs_entry_jumppad:
0x0: {  	(pc) =	sbr.rel $0x88, $3  }
0x1: {  	(tag) =	ssettag $0x0;
	lr =	simm.s32 $0x1  }
0x2: {  	[smem:$0x3F88] =	sst lr;
	_ =	strace $0xD0000000  }
0x3: {  	_ = 	snop  }
0x4: {  	_ = 	snop  }
0x5: {  	_ = 	snop  }
0x6: {  	_ = 	snop  }
0x7: {  	_ = 	snop  }
__scs_overlays_trampoline_lowered:
0x8: {  	[smem:$0x3F97] =	sst s0  }
0x9: {  	[smem:$0x3F98] =	sst s1  }
0xa: {  	[smem:$0x3F99] =	sst s2  }
0xb: {  	[smem:$0x3F9A] =	sst s3  }
0xc: {  	[smem:$0x3F9B] =	sst s4  }
0xd: {  	[smem:$0x3F9C] =	sst s5  }
0xe: {  	[smem:$0x3F9D] =	sst s6  }
0xf: {  	[smem:$0x3F9E] =	sst s7  }
0x10: {  	[smem:$0x3F9F] =	sst s8  }
0x11: {  	[smem:$0x3FA0] =	sst s9;
	s0 =	simm.s32 @!p0 $0x0  }
0x12: {  	s1 =	sld [smem:$0x3F86];
	s0 =	simm.s32 @p0 $0x1  }
0x13: {  	[smem:$0x3FA1] =	sst s0;
	s0 =	simm.s32 @!p1 $0x0  }
0x14: {  	s2 =	sld [smem:$0x3F85];
	s0 =	simm.s32 @p1 $0x1  }
0x15: {  	[smem:$0x3FA2] =	sst s0;
	s0 =	simm.s32 @!p2 $0x0  }
0x16: {  	s3 =	sld [smem:$0x3FDB];
	s0 =	simm.s32 @p2 $0x1  }
0x17: {  	s4 =	simm.s32 $0x1BF5;
	[smem:$0x3FA4] =	sst s0  }
0x18: {  	s0 =	sld [smem:$0x3F87];
	_ =	swait.ge [sflag:s4], $0x0  }
0x19: {  	s7 =	sld [smem:$0x3F88]  }
0x1a: {  	s8 =	sadd.s32 $0xFFFFE003, lr  }
0x1b: {  	s9 =	sadd.s32 $0xFFFFFEF7, lr;
	s5 =	simm.s32 $0xFFFFFFFF;
	p2 =	slt.u32 s8, $0xFFFFF086  }
0x1c: {  	p1 =	slt.u32 s9, $0xF7A;
	s5 =	simm.s32 @!p2 $0x0  }
0x1d: {  	s5 =	simm.s32 @p1 $0x1;
	p0 =	seq.s32 s7, s2  }
0x1e: {  	s7 =	smul.u32 @!p0 $0xF7A, s2;
	p2 =	seq.s32 @!p0 s5, $0x0  }
0x1f: {  	s9 =	smul.u32 $0xF7A, s1;
	s8 =	simm.s32 @!p0 $0x1BF5;
	p2 =	por !p2, p0  }
0x20: {  	[sflag:s8] =	ssyncset.s32 @!p0 $0xFFFFF086;
	s6 =	sadd.s32 @!p0 s3, s7;
	s7 =	simm.s32 @!p0 $0x108  }
0x21: {  	s3 =	sadd.s32 s3, s9;
	s6 =	sadd.s32 @!p0 $0x88, s6;
	s7 =	simm.s32 @p2 $0x1082  }
0x22: {  	[simem:s7], [sflag:s8] =	dma.local @!p0 [hbm:s6], $0xF7A  }
0x23: {  	s9 =	sor.u32 $0xD0000000, s2;
	s6 =	simm.s32 $0x108;
	_ =	swait.ge @!p0 [sflag:s8], $0x0  }
0x24: {  	s3 =	sadd.s32 $0x88, s3;
	s6 =	simm.s32 @!p1 $0x1082;
	[sflag:s4] =	ssyncset.s32 $0xFFFFF086  }
0x25: {  	[simem:s6], [sflag:s4] =	dma.local [hbm:s3], $0xF7A  }
0x26: {  	[smem:$0x3F88] =	sst s1;
	(tag) =	ssettag s2;
	_ =	strace s9  }
0x27: {  	s1 =	sld [smem:$0x3F98]  }
0x28: {  	s2 =	sld [smem:$0x3F99]  }
0x29: {  	s4 =	sld [smem:$0x3F9B]  }
0x2a: {  	p0 =	seq.s32 s5, $0x0;
	s5 =	sld [smem:$0x3F9C]  }
0x2b: {  	s6 =	sld [smem:$0x3F9D]  }
0x2c: {  	s7 =	sld [smem:$0x3F9E]  }
0x2d: {  	s3 =	simm.s32 $0x108;
	s8 =	sld [smem:$0x3F9F]  }
0x2e: {  	s3 =	simm.s32 @!p0 $0x1082;
	s9 =	sld [smem:$0x3FA0]  }
0x2f: {  	lr =	sadd.s32 s0, s3;
	s0 =	sld [smem:$0x3F97]  }
0x30: {  	s3 =	sld [smem:$0x3F9A]  }
0x31: {  	[smem:$0x3FA3] =	sst s10  }
0x32: {  	s10 =	sld [smem:$0x3FA1];
	_ =	sdelay $0x3  }
0x33: {  	p0 =	seq.s32 s10, $0x1;
	s10 =	sld [smem:$0x3FA3];
	_ =	sdelay $0x3  }
0x34: {  	[smem:$0x3FA3] =	sst s10  }
0x35: {  	s10 =	sld [smem:$0x3FA2];
	_ =	sdelay $0x3  }
0x36: {  	p1 =	seq.s32 s10, $0x1;
	s10 =	sld [smem:$0x3FA3];
	_ =	sdelay $0x3  }
0x37: {  	[smem:$0x3FA3] =	sst s10  }
0x38: {  	s10 =	sld [smem:$0x3FA4]  }
0x39: {  	_ = 	snop;
	(pc) =	sbr.ind lr, $3  }
0x3a: {  	_ = 	snop  }
0x3b: {  	_ = 	snop  }
0x3c: {  	p2 =	seq.s32 s10, $0x1;
	s10 =	sld [smem:$0x3FA3]  }
0x3d: {  	_ =	shalt  }
0x3e: {  	_ =	shalt  }
0x3f: {  	_ =	shalt  }
0x40: {  	_ =	shalt  }
0x41: {  	_ =	shalt  }
0x42: {  	_ =	shalt  }
0x43: {  	_ =	shalt  }
0x44: {  	_ =	shalt  }
0x45: {  	_ =	shalt  }
0x46: {  	_ =	shalt  }
0x47: {  	_ =	shalt  }
0x48: {  	_ =	shalt  }
0x49: {  	_ =	shalt  }
0x4a: {  	_ =	shalt  }
0x4b: {  	_ =	shalt  }
0x4c: {  	_ =	shalt  }
0x4d: {  	_ =	shalt  }
0x4e: {  	_ =	shalt  }
0x4f: {  	_ =	shalt  }
0x50: {  	_ =	shalt  }
0x51: {  	_ =	shalt  }
0x52: {  	_ =	shalt  }
0x53: {  	_ =	shalt  }
0x54: {  	_ =	shalt  }
0x55: {  	_ =	shalt  }
0x56: {  	_ =	shalt  }
0x57: {  	_ =	shalt  }
0x58: {  	_ =	shalt  }
0x59: {  	_ =	shalt  }
0x5a: {  	_ =	shalt  }
0x5b: {  	_ =	shalt  }
0x5c: {  	_ =	shalt  }
0x5d: {  	_ =	shalt  }
0x5e: {  	_ =	shalt  }
0x5f: {  	_ =	shalt  }
0x60: {  	_ =	shalt  }
0x61: {  	_ =	shalt  }
0x62: {  	_ =	shalt  }
0x63: {  	_ =	shalt  }
0x64: {  	_ =	shalt  }
0x65: {  	_ =	shalt  }
0x66: {  	_ =	shalt  }
0x67: {  	_ =	shalt  }
0x68: {  	_ =	shalt  }
0x69: {  	_ =	shalt  }
0x6a: {  	_ =	shalt  }
0x6b: {  	_ =	shalt  }
0x6c: {  	_ =	shalt  }
0x6d: {  	_ =	shalt  }
0x6e: {  	_ =	shalt  }
0x6f: {  	_ =	shalt  }
0x70: {  	_ =	shalt  }
0x71: {  	_ =	shalt  }
0x72: {  	_ =	shalt  }
0x73: {  	_ =	shalt  }
0x74: {  	_ =	shalt  }
0x75: {  	_ =	shalt  }
0x76: {  	_ =	shalt  }
0x77: {  	_ =	shalt  }
0x78: {  	_ =	shalt  }
0x79: {  	_ =	shalt  }
0x7a: {  	_ =	shalt  }
0x7b: {  	_ =	shalt  }
0x7c: {  	_ =	shalt  }
0x7d: {  	_ =	shalt  }
0x7e: {  	_ =	shalt  }
0x7f: {  	_ =	shalt  }
0x80: {  	_ =	shalt  }
0x81: {  	_ =	shalt  }
0x82: {  	_ =	shalt  }
0x83: {  	_ =	shalt  }
0x84: {  	_ =	shalt  }
0x85: {  	_ =	shalt  }
0x86: {  	_ =	shalt  }
0x87: {  	_ =	shalt  }
.Lfunc_end0:
.L_simem_size_0:
called_computation_lowered:
.L_overlay_start_0:
0x88: {  	s2 =	sld [smem:$0x3FD9]  }
0x89: {  	s3 =	sld [smem:$0x3FFE];
	_ =	sdelay $0x1  }
0x8a: {  	s1 =	srdreg.scid  }
0x8b: {  	s0 =	sand.u32 $0x1, s1  }
0x8c: {  	s14 =	sshll.u32 s0, $0xA;
	s2 =	sadd.s32 s3, s2  }
0x8d: {  	s2 =	sadd.s32 s2, s14  }
0x8e: {  	[smem:$0x3FAF] =	sst s2  }
0x8f: {  	_ = 	snop  }
0x90: {  	s2 =	sld [smem:$0x3FD0];
	_ =	sdelay $0x2  }
0x91: {  	s15 =	simm.s32 $0xA;
	s4 =	simm.s32 $0x10  }
0x92: {  	[smem:s4], [sflag:s15] =	dma.local [hbm:s2], $0x1  }
0x93: {  	_ =	swait.eq [sflag:s15], $0x1  }
0x94: {  	[sflag:s15] =	ssyncset.done $0x0  }
0x95: {  	[sflag:s15] =	ssyncadd.s32 $0xFFFFFFFF  }
0x96: {  	s16 =	sld [smem:$0x10];
	(tm) =	ssettm $0x1  }
0x97: {  	s17 =	sld [smem:$0x3FFB];
	_ =	sdelay $0x3  }
0x98: {  	_ =	strace s17  }
0x99: {  	s3 =	sld [smem:$0x3FFC];
	_ =	sdelay $0x3  }
0x9a: {  	_ =	strace s3  }
0x9b: {  	s3 =	sld [smem:$0x3FFD];
	_ =	sdelay $0x3  }
0x9c: {  	_ =	strace s3  }
0x9d: {  	_ =	strace $0x8FFFFFFF  }
0x9e: {  	s18 =	sld [smem:$0x3FDB];
	_ =	sdelay $0x1  }
0x9f: {  	s19 =	simm.s32 $_scs_section_size  }
0xa0: {  	s5 =	simm.s32 $_size__tile_overlayer_lowered;
	s6 =	simm.s32 $_tile_overlayer_lowered  }
0xa1: {  	s22 =	simm.s32 $0x1BFF;
	s21 =	sshll.u32 s6, $0x1;
	s3 =	sadd.s32 s19, s18  }
0xa2: {  	s7 =	simm.s32 $0x0;
	s20 =	sshll.u32 s5, $0x1;
	s5 =	sadd.s32 s21, s3  }
0xa3: {  	[timem:s7], [sflag:s22] =	dma.local [hbm:s5], s20  }
0xa4: {  	_ =	swait.ge [sflag:s22], s20  }
0xa5: {  	s4 =	ssub.s32 $0x0, s20;
	[sflag:s22] =	ssyncset.done $0x0  }
0xa6: {  	[sflag:s22] =	ssyncadd.s32 s4;
	_ =	sdelay $0x1  }
0xa7: {  	s23 =	simm.s32 $0x1B8B  }
0xa8: {  	_ =	swait.ge [sflag:s23], $0x1  }
0xa9: {  	[sflag:s23] =	ssyncset.done $0x0  }
0xaa: {  	s25 =	simm.s32 $0x1B8E;
	s24 =	sld [smem:$0x3FFE];
	[sflag:s23] =	ssyncadd.s32 $0xFFFFFFFF  }
0xab: {  	s26 =	simm.s32 $execute0_lowered;
	[smem:$0x3FD2] =	sst s25  }
0xac: {  	s5 =	sshll.u32 s26, $0x1;
	_ =	strace $0x80000046;
	[dreg:$0x1] =	wrdreg $0xFFFFFFFF  }
0xad: {  	s28 =	simm.s32 $_size_execute0_lowered;
	s3 =	sadd.s32 s3, s5;
	[dreg:$0x0] =	wrdreg $0x0  }
0xae: {  	s5 =	sshll.u32 s28, $0x1;
	[dreg:$0x2] =	wrdreg s3  }
0xaf: {  	[dreg:$0x3] =	wrdreg s5  }
0xb0: {  	[dreg:$0x4] =	wrdreg $0xC0  }
0xb1: {  	_ =	task [dreg:s7], $0x5FFFF  }
0xb2: {  	[dreg:$0x1] =	wrdreg $0xFFFFFFFF  }
0xb3: {  	[dreg:$0x0] =	wrdreg $0x60  }
0xb4: {  	[dreg:$0x2] =	wrdreg s24  }
0xb5: {  	[dreg:$0x3] =	wrdreg s16  }
0xb6: {  	[dreg:$0x4] =	wrdreg $0x9  }
0xb7: {  	_ =	task.clear_ibuf [dreg:s7], $0x5FFFF;
	_ =	strace $0x90000046  }
0xb8: {  	s29 =	simm.s32 $0x9;
	_ =	strace $0x80000048  }
0xb9: {  	_ =	swait.ge [sflag:s29], $0x1  }
0xba: {  	[sflag:s29] =	ssyncadd.s32 $0xFFFFFFFF  }
0xbb: {  	_ =	strace $0x90000048  }
0xbc: {  	_ =	sfence  }
0xbd: {  	s30 =	sld [smem:$0x0];
	_ =	sdelay $0x2  }
0xbe: {  	s31 =	sshll.u32 s1, $0xD;
	s1 =	sshrl.u32 s1, $0x2  }
0xbf: {  	s3 =	sand.u32 $0x4000, s31;
	s1 =	sadd.s32 s1, s30  }
0xc0: {  	s0 =	sor.u32 s3, s0;
	s1 =	sshll.u32 s1, $0x11  }
0xc1: {  	s0 =	sor.u32 s1, s0  }
0xc2: {  	s0 =	sadd.s32 $0x8F2B, s0  }
0xc3: {  	[sflag:s0] =	ssyncadd.remote.s32 $0x1  }
0xc4: {  	_ =	sfence.sel $0xFFFF  }
0xc5: {  	[dreg:$0x0] =	wrdreg $0xFFFFFFFF;
	(pc) =	sbr.abs _section_cstart, $3  }
0xc6: {  	[dreg:$0x1] =	wrdreg $0xFFFFFFFF  }
0xc7: {  	_ =	task.clear_ibuf [dreg:s7], $0x2FFFF;
	_ =	strace $0x9FFFFFFF  }
0xc8: {  	(tm) =	ssettm $0x7FFFFFFF  }
0xc9: {  	_ =	shalt  }
tec
execute0_lowered:
.L_overlay_start_1:
0x0: {  	(tag) =	ssettag $0x1  }
0x1: {  	s1 =	rddreg [dreg:$0x0]  }
0x2: {  	s2 =	srdreg.scid;
	s0 =	stileid.u32  }
0x3: {  	s3 =	rddreg [dreg:$0x1];
	s19 =	simm.s32 $0x6A00;
	s20 =	simm.s32 $0x6E00  }
0x4: {  	s21 =	simm.s32 $0x7600;
	s5 =	sand.u32 $0x1, s2;
	s2 =	simm.s32 $0x0  }
0x5: {  	s22 =	simm.s32 $0x7A00;
	s23 =	simm.s32 $0x8200;
	[smem:$0x7FF] =	sst s2  }
0x6: {  	s24 =	simm.s32 $0x8600;
	_ =	strace $0x80000047;
	[dreg:$0x7] =	wrdreg s19  }
0x7: {  	s26 =	simm.s32 $0x8E00;
	s10 =	simm.s32 $0xA600;
	[dreg:$0x8] =	wrdreg s20  }
0x8: {  	s11 =	simm.s32 $0xAA00;
	s12 =	simm.s32 $0xB200;
	[dreg:$0x9] =	wrdreg s21  }
0x9: {  	s13 =	simm.s32 $0xB600;
	s14 =	simm.s32 $0xBE00;
	[dreg:$0xa] =	wrdreg s22  }
0xa: {  	s15 =	simm.s32 $0xCA00;
	s16 =	simm.s32 $0xCE00;
	[dreg:$0xb] =	wrdreg s23  }
0xb: {  	s17 =	simm.s32 $0xD600;
	s4 =	sshll.u32 s0, $0x1;
	[dreg:$0xc] =	wrdreg s24  }
0xc: {  	s9 =	sshll.u32 s0, $0x7;
	s0 =	simm.s32 $0x9200;
	[dreg:$0xd] =	wrdreg s26  }
0xd: {  	s28 =	simm.s32 $0x11600;
	s29 =	simm.s32 $0x11E00;
	[dreg:$0xe] =	wrdreg s0  }
0xe: {  	s30 =	simm.s32 $0x1;
	s31 =	simm.s32 $0x2;
	[dreg:$0x11] =	wrdreg s10  }
0xf: {  	s8 =	sadd.s32 $0x10600, s1;
	s4 =	sor.u32 s5, s4;
	[dreg:$0x12] =	wrdreg s11  }
0x10: {  	s7 =	sshll.u32 s5, $0x6;
	s6 =	smul.u32 $0x3000, s4;
	[dreg:$0x13] =	wrdreg s12  }
0x11: {  	s5 =	ssub.s32 $0x2, s5;
	s4 =	smul.u32 $0x18000, s4;
	[dreg:$0x14] =	wrdreg s13  }
0x12: {  	s3 =	sadd.s32 s3, s7;
	s25 =	sshrl.u32 s5, $0x1;
	[dreg:$0x15] =	wrdreg s14  }
0x13: {  	s10 =	simm.s32 $0xE00;
	s11 =	simm.s32 $0x1600;
	[dreg:$0x16] =	wrdreg s15  }
0x14: {  	s12 =	simm.s32 $0x1A00;
	s13 =	simm.s32 $0x2200;
	[dreg:$0x17] =	wrdreg s16  }
0x15: {  	s14 =	simm.s32 $0x2600;
	s15 =	simm.s32 $0x2E00;
	[dreg:$0x18] =	wrdreg s17  }
0x16: {  	s16 =	simm.s32 $0x3200;
	s19 =	simm.s32 $0xE200;
	s17 =	simm.s32 $0x3A00  }
0x17: {  	s20 =	simm.s32 $0xE600;
	s21 =	simm.s32 $0xEE00;
	[dreg:$0x1a] =	wrdreg s19  }
0x18: {  	s22 =	simm.s32 $0xF200;
	s23 =	simm.s32 $0xFA00;
	[dreg:$0x1b] =	wrdreg s20  }
0x19: {  	s24 =	simm.s32 $0xFE00;
	s26 =	simm.s32 $0x10A00;
	[dreg:$0x1c] =	wrdreg s21  }
0x1a: {  	s7 =	sadd.s32 s9, s3;
	s9 =	simm.s32 $0x9E00;
	[dreg:$0x1d] =	wrdreg s22  }
0x1b: {  	s19 =	simm.s32 $0x4600;
	s20 =	simm.s32 $0x4A00;
	[dreg:$0x1e] =	wrdreg s23  }
0x1c: {  	s21 =	simm.s32 $0x5200;
	s22 =	simm.s32 $0x5600;
	[dreg:$0x1f] =	wrdreg s24  }
0x1d: {  	s23 =	simm.s32 $0x5E00;
	s24 =	simm.s32 $0x6200;
	[smem:$0x7FD] =	sst s26  }
0x1e: {  	s3 =	sadd.s32 s8, s6;
	s4 =	sshrl.u32 s4, $0x3;
	[dreg:$0x3] =	wrdreg s7  }
0x1f: {  	s7 =	ssub.s32 s5, s25;
	s5 =	sadd.s32 $0x4700, s1;
	[dreg:$0x10] =	wrdreg s9  }
0x20: {  	s9 =	simm.s32 $0xA00;
	s25 =	simm.s32 $0x10600;
	s6 =	sadd.s32 $0xC00, s3  }
0x21: {  	s4 =	sadd.s32 s8, s4;
	s8 =	simm.s32 $0x9A00;
	[smem:$0x7FC] =	sst s25  }
0x22: {  	s25 =	simm.s32 $0xC200;
	[dreg:$0x4] =	wrdreg s6;
	s18 =	sadd.s32 $0x1800, s4  }
0x23: {  	s4 =	sadd.s32 $0x2400, s4;
	s6 =	smax.u32 s7, $0x1;
	[dreg:$0xf] =	wrdreg s8  }
0x24: {  	v2 =	vlaneseq.u32;
	s7 =	simm.s32 $0x4;
	s8 =	simm.s32 $0x200;
	[dreg:$0x5] =	wrdreg s18  }
0x25: {  	vm0 =	vmmov $0xffff;
	vm1 =	vmmov $0xff;
	v1 =	vshrl.u32 v2, $0x3;
	[dreg:$0x6] =	wrdreg s4;
	s4 =	sadd.s32 $0x4600, s1;
	s18 =	simm.s32 $0xDA00  }
0x26: {  	v0 =	vand.u32 $0x7, v2;
	v2 =	vor.u32 $0x8, v2;
	v1 =	vmul.u32 $0x8, v1;
	s1 =	simm.s32 $0x3;
	[dreg:$0x19] =	wrdreg s18;
	s18 =	simm.s32 $0x3E00  }
.LBB2_1:
0x27: {  	s0 =	rddreg [dreg:$0x3]  }
0x28: {  	[tilespmem:s2], [sflag:$0x4] =	stream.linear.gather [hbm4b:s0+s2], $0x200, $0x38;
	[tilespmem:$0x12200] =	vst v63  }
0x29: {  	_ =	swait.ge [sflag:s7], $0x200  }
0x2a: {  	[sflag:s7] =	ssyncset.done $0x0  }
0x2b: {  	[sflag:s7] =	ssyncadd.s32 $0xFFFFFE00  }
0x2c: {  	v3 =	vld [tilespmem:$0x0];
	_ =	sdelay $0x4  }
0x2d: {  	v4 =	vshrl.u32 v3, $0x3  }
0x2e: {  	v4 =	vmul.u32 $0x18, v4  }
0x2f: {  	v3 =	vand.u32 $0x7, v3  }
0x30: {  	v3 =	vor.u32 v3, v4  }
0x31: {  	v4 =	vperm.xlane v3, v0;
	_ =	sdelay $0x1  }
0x32: {  	v4 =	vadd.s32 v1, v4;
	_ =	sdelay $0x1  }
0x33: {  	v3 =	vperm.xlane v3, v2;
	_ =	sdelay $0x1  }
0x34: {  	v3 =	vadd.s32 v1, v3  }
0x35: {  	[tilespmem:s8], [sflag:$0x1] =	stream.indirect_vreg.gather [hbm4b:s4+s2], $0x80, v4, vm0, $0xb8;
	[tilespmem:$0x12200] =	vst v63  }
0x36: {  	_ = 	snop  }
0x37: {  	[tilespmem:s9], [sflag:$0x1] =	stream.indirect_vreg.gather [hbm4b:s5+s2], $0x80, v4, vm1, $0xb8;
	[tilespmem:$0x12200] =	vst v63  }
0x38: {  	_ = 	snop  }
0x39: {  	[tilespmem:s10], [sflag:$0x1] =	stream.indirect_vreg.gather [hbm4b:s4+s2], $0x80, v3, vm0, $0xb8;
	[tilespmem:$0x12200] =	vst v63  }
0x3a: {  	_ = 	snop  }
0x3b: {  	[tilespmem:s11], [sflag:$0x1] =	stream.indirect_vreg.gather [hbm4b:s5+s2], $0x80, v3, vm1, $0xb8;
	[tilespmem:$0x12200] =	vst v63  }
0x3c: {  	v3 =	vld [tilespmem:$0x10];
	_ =	sdelay $0x4  }
0x3d: {  	v49 =	vshrl.u32 v3, $0x3  }
0x3e: {  	v4 =	vmul.u32 $0x18, v49  }
0x3f: {  	v3 =	vand.u32 $0x7, v3  }
0x40: {  	v3 =	vor.u32 v3, v4  }
0x41: {  	v4 =	vperm.xlane v3, v0;
	_ =	sdelay $0x1  }
0x42: {  	v4 =	vadd.s32 v1, v4;
	_ =	sdelay $0x1  }
0x43: {  	v3 =	vperm.xlane v3, v2;
	_ =	sdelay $0x1  }
0x44: {  	v3 =	vadd.s32 v1, v3  }
0x45: {  	[tilespmem:s12], [sflag:$0x1] =	stream.indirect_vreg.gather [hbm4b:s4+s2], $0x80, v4, vm0, $0xb8;
	[tilespmem:$0x12200] =	vst v63  }
0x46: {  	_ = 	snop  }
0x47: {  	[tilespmem:s13], [sflag:$0x1] =	stream.indirect_vreg.gather [hbm4b:s5+s2], $0x80, v4, vm1, $0xb8;
	[tilespmem:$0x12200] =	vst v63  }
0x48: {  	_ = 	snop  }
0x49: {  	[tilespmem:s14], [sflag:$0x1] =	stream.indirect_vreg.gather [hbm4b:s4+s2], $0x80, v3, vm0, $0xb8;
	[tilespmem:$0x12200] =	vst v63  }
0x4a: {  	_ = 	snop  }
0x4b: {  	[tilespmem:s15], [sflag:$0x1] =	stream.indirect_vreg.gather [hbm4b:s5+s2], $0x80, v3, vm1, $0xb8;
	[tilespmem:$0x12200] =	vst v63  }
0x4c: {  	v3 =	vld [tilespmem:$0x20];
	_ =	sdelay $0x4  }
0x4d: {  	v50 =	vshrl.u32 v3, $0x3  }
0x4e: {  	v4 =	vmul.u32 $0x18, v50  }
0x4f: {  	v3 =	vand.u32 $0x7, v3  }
0x50: {  	v3 =	vor.u32 v3, v4  }
0x51: {  	v4 =	vperm.xlane v3, v0;
	_ =	sdelay $0x1  }
0x52: {  	v4 =	vadd.s32 v1, v4;
	_ =	sdelay $0x1  }
0x53: {  	v3 =	vperm.xlane v3, v2;
	_ =	sdelay $0x1  }
0x54: {  	v3 =	vadd.s32 v1, v3  }
0x55: {  	[tilespmem:s16], [sflag:$0x1] =	stream.indirect_vreg.gather [hbm4b:s4+s2], $0x80, v4, vm0, $0xb8;
	[tilespmem:$0x12200] =	vst v63  }
0x56: {  	_ = 	snop  }
0x57: {  	[tilespmem:s17], [sflag:$0x1] =	stream.indirect_vreg.gather [hbm4b:s5+s2], $0x80, v4, vm1, $0xb8;
	[tilespmem:$0x12200] =	vst v63  }
0x58: {  	_ = 	snop  }
0x59: {  	[tilespmem:s18], [sflag:$0x1] =	stream.indirect_vreg.gather [hbm4b:s4+s2], $0x80, v3, vm0, $0xb8;
	[tilespmem:$0x12200] =	vst v63  }
0x5a: {  	_ = 	snop  }
0x5b: {  	[tilespmem:s19], [sflag:$0x1] =	stream.indirect_vreg.gather [hbm4b:s5+s2], $0x80, v3, vm1, $0xb8;
	[tilespmem:$0x12200] =	vst v63  }
0x5c: {  	v3 =	vld [tilespmem:$0x30];
	_ =	sdelay $0x4  }
0x5d: {  	v51 =	vshrl.u32 v3, $0x3  }
0x5e: {  	v4 =	vmul.u32 $0x18, v51  }
0x5f: {  	v3 =	vand.u32 $0x7, v3  }
0x60: {  	v3 =	vor.u32 v3, v4  }
0x61: {  	v4 =	vperm.xlane v3, v0;
	_ =	sdelay $0x1  }
0x62: {  	v4 =	vadd.s32 v1, v4;
	_ =	sdelay $0x1  }
0x63: {  	v3 =	vperm.xlane v3, v2;
	_ =	sdelay $0x1  }
0x64: {  	v3 =	vadd.s32 v1, v3  }
0x65: {  	[tilespmem:s20], [sflag:$0x1] =	stream.indirect_vreg.gather [hbm4b:s4+s2], $0x80, v4, vm0, $0xb8;
	[tilespmem:$0x12200] =	vst v63  }
0x66: {  	_ = 	snop  }
0x67: {  	[tilespmem:s21], [sflag:$0x1] =	stream.indirect_vreg.gather [hbm4b:s5+s2], $0x80, v4, vm1, $0xb8;
	[tilespmem:$0x12200] =	vst v63  }
0x68: {  	_ = 	snop  }
0x69: {  	[tilespmem:s22], [sflag:$0x1] =	stream.indirect_vreg.gather [hbm4b:s4+s2], $0x80, v3, vm0, $0xb8;
	[tilespmem:$0x12200] =	vst v63  }
0x6a: {  	_ = 	snop  }
0x6b: {  	[tilespmem:s23], [sflag:$0x1] =	stream.indirect_vreg.gather [hbm4b:s5+s2], $0x80, v3, vm1, $0xb8;
	[tilespmem:$0x12200] =	vst v63  }
0x6c: {  	v3 =	vld [tilespmem:$0x80];
	_ =	sdelay $0x4  }
0x6d: {  	v52 =	vshrl.u32 v3, $0x3  }
0x6e: {  	v4 =	vmul.u32 $0x18, v52  }
0x6f: {  	v3 =	vand.u32 $0x7, v3  }
0x70: {  	v3 =	vor.u32 v3, v4  }
0x71: {  	v4 =	vperm.xlane v3, v0;
	_ =	sdelay $0x1  }
0x72: {  	v4 =	vadd.s32 v1, v4;
	_ =	sdelay $0x1  }
0x73: {  	v3 =	vperm.xlane v3, v2;
	_ =	sdelay $0x1  }
0x74: {  	v3 =	vadd.s32 v1, v3  }
0x75: {  	[tilespmem:s24], [sflag:$0x2] =	stream.indirect_vreg.gather [hbm4b:s4+s2], $0x80, v4, vm0, $0xb8;
	[tilespmem:$0x12200] =	vst v63  }
0x76: {  	s0 =	rddreg [dreg:$0x7]  }
0x77: {  	[tilespmem:s0], [sflag:$0x2] =	stream.indirect_vreg.gather [hbm4b:s5+s2], $0x80, v4, vm1, $0xb8;
	[tilespmem:$0x12200] =	vst v63  }
0x78: {  	s26 =	rddreg [dreg:$0x8]  }
0x79: {  	[tilespmem:s26], [sflag:$0x2] =	stream.indirect_vreg.gather [hbm4b:s4+s2], $0x80, v3, vm0, $0xb8;
	[tilespmem:$0x12200] =	vst v63  }
0x7a: {  	s0 =	rddreg [dreg:$0x9]  }
0x7b: {  	[tilespmem:s0], [sflag:$0x2] =	stream.indirect_vreg.gather [hbm4b:s5+s2], $0x80, v3, vm1, $0xb8;
	[tilespmem:$0x12200] =	vst v63  }
0x7c: {  	v3 =	vld [tilespmem:$0x90];
	_ =	sdelay $0x4  }
0x7d: {  	v53 =	vshrl.u32 v3, $0x3  }
0x7e: {  	v4 =	vmul.u32 $0x18, v53  }
0x7f: {  	v3 =	vand.u32 $0x7, v3  }
0x80: {  	v3 =	vor.u32 v3, v4  }
0x81: {  	v4 =	vperm.xlane v3, v0;
	_ =	sdelay $0x1  }
0x82: {  	v4 =	vadd.s32 v1, v4;
	_ =	sdelay $0x1  }
0x83: {  	v3 =	vperm.xlane v3, v2;
	_ =	sdelay $0x1  }
0x84: {  	s0 =	rddreg [dreg:$0xa];
	v3 =	vadd.s32 v1, v3  }
0x85: {  	[tilespmem:s0], [sflag:$0x2] =	stream.indirect_vreg.gather [hbm4b:s4+s2], $0x80, v4, vm0, $0xb8;
	[tilespmem:$0x12200] =	vst v63  }
0x86: {  	s26 =	rddreg [dreg:$0xb]  }
0x87: {  	[tilespmem:s26], [sflag:$0x2] =	stream.indirect_vreg.gather [hbm4b:s5+s2], $0x80, v4, vm1, $0xb8;
	[tilespmem:$0x12200] =	vst v63  }
0x88: {  	s0 =	rddreg [dreg:$0xc]  }
0x89: {  	[tilespmem:s0], [sflag:$0x2] =	stream.indirect_vreg.gather [hbm4b:s4+s2], $0x80, v3, vm0, $0xb8;
	[tilespmem:$0x12200] =	vst v63  }
0x8a: {  	s26 =	rddreg [dreg:$0xd]  }
0x8b: {  	[tilespmem:s26], [sflag:$0x2] =	stream.indirect_vreg.gather [hbm4b:s5+s2], $0x80, v3, vm1, $0xb8;
	[tilespmem:$0x12200] =	vst v63  }
0x8c: {  	v3 =	vld [tilespmem:$0xA0];
	_ =	sdelay $0x4  }
0x8d: {  	v54 =	vshrl.u32 v3, $0x3  }
0x8e: {  	v4 =	vmul.u32 $0x18, v54  }
0x8f: {  	v3 =	vand.u32 $0x7, v3  }
0x90: {  	v3 =	vor.u32 v3, v4  }
0x91: {  	v4 =	vperm.xlane v3, v0;
	_ =	sdelay $0x1  }
0x92: {  	v4 =	vadd.s32 v1, v4;
	_ =	sdelay $0x1  }
0x93: {  	v3 =	vperm.xlane v3, v2;
	_ =	sdelay $0x1  }
0x94: {  	s0 =	rddreg [dreg:$0xe];
	v3 =	vadd.s32 v1, v3  }
0x95: {  	[tilespmem:s0], [sflag:$0x2] =	stream.indirect_vreg.gather [hbm4b:s4+s2], $0x80, v4, vm0, $0xb8;
	[tilespmem:$0x12200] =	vst v63  }
0x96: {  	s26 =	rddreg [dreg:$0xf]  }
0x97: {  	[tilespmem:s26], [sflag:$0x2] =	stream.indirect_vreg.gather [hbm4b:s5+s2], $0x80, v4, vm1, $0xb8;
	[tilespmem:$0x12200] =	vst v63  }
0x98: {  	s0 =	rddreg [dreg:$0x10]  }
0x99: {  	[tilespmem:s0], [sflag:$0x2] =	stream.indirect_vreg.gather [hbm4b:s4+s2], $0x80, v3, vm0, $0xb8;
	[tilespmem:$0x12200] =	vst v63  }
0x9a: {  	s26 =	rddreg [dreg:$0x11]  }
0x9b: {  	[tilespmem:s26], [sflag:$0x2] =	stream.indirect_vreg.gather [hbm4b:s5+s2], $0x80, v3, vm1, $0xb8;
	[tilespmem:$0x12200] =	vst v63  }
0x9c: {  	v3 =	vld [tilespmem:$0xB0];
	_ =	sdelay $0x4  }
0x9d: {  	v55 =	vshrl.u32 v3, $0x3  }
0x9e: {  	v4 =	vmul.u32 $0x18, v55  }
0x9f: {  	v3 =	vand.u32 $0x7, v3  }
0xa0: {  	v3 =	vor.u32 v3, v4  }
0xa1: {  	v4 =	vperm.xlane v3, v0;
	_ =	sdelay $0x1  }
0xa2: {  	v4 =	vadd.s32 v1, v4;
	_ =	sdelay $0x1  }
0xa3: {  	v3 =	vperm.xlane v3, v2;
	_ =	sdelay $0x1  }
0xa4: {  	s0 =	rddreg [dreg:$0x12];
	v3 =	vadd.s32 v1, v3  }
0xa5: {  	[tilespmem:s0], [sflag:$0x2] =	stream.indirect_vreg.gather [hbm4b:s4+s2], $0x80, v4, vm0, $0xb8;
	[tilespmem:$0x12200] =	vst v63  }
0xa6: {  	s26 =	rddreg [dreg:$0x13]  }
0xa7: {  	[tilespmem:s26], [sflag:$0x2] =	stream.indirect_vreg.gather [hbm4b:s5+s2], $0x80, v4, vm1, $0xb8;
	[tilespmem:$0x12200] =	vst v63  }
0xa8: {  	s0 =	rddreg [dreg:$0x14]  }
0xa9: {  	[tilespmem:s0], [sflag:$0x2] =	stream.indirect_vreg.gather [hbm4b:s4+s2], $0x80, v3, vm0, $0xb8;
	[tilespmem:$0x12200] =	vst v63  }
0xaa: {  	s26 =	rddreg [dreg:$0x15]  }
0xab: {  	[tilespmem:s26], [sflag:$0x2] =	stream.indirect_vreg.gather [hbm4b:s5+s2], $0x80, v3, vm1, $0xb8;
	[tilespmem:$0x12200] =	vst v63  }
0xac: {  	v3 =	vld [tilespmem:$0x100];
	_ =	sdelay $0x4  }
0xad: {  	v56 =	vshrl.u32 v3, $0x3  }
0xae: {  	v4 =	vmul.u32 $0x18, v56  }
0xaf: {  	v3 =	vand.u32 $0x7, v3  }
0xb0: {  	v3 =	vor.u32 v3, v4  }
0xb1: {  	v4 =	vperm.xlane v3, v0;
	_ =	sdelay $0x1  }
0xb2: {  	v4 =	vadd.s32 v1, v4;
	_ =	sdelay $0x1  }
0xb3: {  	v3 =	vperm.xlane v3, v2;
	_ =	sdelay $0x1  }
0xb4: {  	v3 =	vadd.s32 v1, v3  }
0xb5: {  	[tilespmem:s25], [sflag:$0x3] =	stream.indirect_vreg.gather [hbm4b:s4+s2], $0x80, v4, vm0, $0xb8;
	[tilespmem:$0x12200] =	vst v63  }
0xb6: {  	s0 =	rddreg [dreg:$0x16]  }
0xb7: {  	[tilespmem:s0], [sflag:$0x3] =	stream.indirect_vreg.gather [hbm4b:s5+s2], $0x80, v4, vm1, $0xb8;
	[tilespmem:$0x12200] =	vst v63  }
0xb8: {  	s26 =	rddreg [dreg:$0x17]  }
0xb9: {  	[tilespmem:s26], [sflag:$0x3] =	stream.indirect_vreg.gather [hbm4b:s4+s2], $0x80, v3, vm0, $0xb8;
	[tilespmem:$0x12200] =	vst v63  }
0xba: {  	s0 =	rddreg [dreg:$0x18]  }
0xbb: {  	[tilespmem:s0], [sflag:$0x3] =	stream.indirect_vreg.gather [hbm4b:s5+s2], $0x80, v3, vm1, $0xb8;
	[tilespmem:$0x12200] =	vst v63  }
0xbc: {  	v3 =	vld [tilespmem:$0x110];
	_ =	sdelay $0x4  }
0xbd: {  	v57 =	vshrl.u32 v3, $0x3  }
0xbe: {  	v4 =	vmul.u32 $0x18, v57  }
0xbf: {  	v3 =	vand.u32 $0x7, v3  }
0xc0: {  	v3 =	vor.u32 v3, v4  }
0xc1: {  	v4 =	vperm.xlane v3, v0;
	_ =	sdelay $0x1  }
0xc2: {  	v4 =	vadd.s32 v1, v4;
	_ =	sdelay $0x1  }
0xc3: {  	v3 =	vperm.xlane v3, v2;
	_ =	sdelay $0x1  }
0xc4: {  	s0 =	rddreg [dreg:$0x19];
	v3 =	vadd.s32 v1, v3  }
0xc5: {  	[tilespmem:s0], [sflag:$0x3] =	stream.indirect_vreg.gather [hbm4b:s4+s2], $0x80, v4, vm0, $0xb8;
	[tilespmem:$0x12200] =	vst v63  }
0xc6: {  	s26 =	rddreg [dreg:$0x1a]  }
0xc7: {  	[tilespmem:s26], [sflag:$0x3] =	stream.indirect_vreg.gather [hbm4b:s5+s2], $0x80, v4, vm1, $0xb8;
	[tilespmem:$0x12200] =	vst v63  }
0xc8: {  	s0 =	rddreg [dreg:$0x1b]  }
0xc9: {  	[tilespmem:s0], [sflag:$0x3] =	stream.indirect_vreg.gather [hbm4b:s4+s2], $0x80, v3, vm0, $0xb8;
	[tilespmem:$0x12200] =	vst v63  }
0xca: {  	s26 =	rddreg [dreg:$0x1c]  }
0xcb: {  	[tilespmem:s26], [sflag:$0x3] =	stream.indirect_vreg.gather [hbm4b:s5+s2], $0x80, v3, vm1, $0xb8;
	[tilespmem:$0x12200] =	vst v63  }
0xcc: {  	v3 =	vld [tilespmem:$0x120];
	_ =	sdelay $0x4  }
0xcd: {  	v58 =	vshrl.u32 v3, $0x3  }
0xce: {  	v4 =	vmul.u32 $0x18, v58  }
0xcf: {  	v3 =	vand.u32 $0x7, v3  }
0xd0: {  	v3 =	vor.u32 v3, v4  }
0xd1: {  	v4 =	vperm.xlane v3, v0;
	_ =	sdelay $0x1  }
0xd2: {  	v4 =	vadd.s32 v1, v4;
	_ =	sdelay $0x1  }
0xd3: {  	v3 =	vperm.xlane v3, v2  }
0xd4: {  	s0 =	rddreg [dreg:$0x1d]  }
0xd5: {  	s26 =	rddreg [dreg:$0x1e];
	v3 =	vadd.s32 v1, v3  }
0xd6: {  	[tilespmem:s0], [sflag:$0x3] =	stream.indirect_vreg.gather [hbm4b:s4+s2], $0x80, v4, vm0, $0xb8;
	[tilespmem:$0x12200] =	vst v63  }
0xd7: {  	s0 =	rddreg [dreg:$0x1f]  }
0xd8: {  	[tilespmem:s26], [sflag:$0x3] =	stream.indirect_vreg.gather [hbm4b:s5+s2], $0x80, v4, vm1, $0xb8;
	[tilespmem:$0x12200] =	vst v63  }
0xd9: {  	s26 =	sld [smem:$0x7FC]  }
0xda: {  	[tilespmem:s0], [sflag:$0x3] =	stream.indirect_vreg.gather [hbm4b:s4+s2], $0x80, v3, vm0, $0xb8;
	[tilespmem:$0x12200] =	vst v63  }
0xdb: {  	_ = 	snop  }
0xdc: {  	[tilespmem:s26], [sflag:$0x3] =	stream.indirect_vreg.gather [hbm4b:s5+s2], $0x80, v3, vm1, $0xb8;
	[tilespmem:$0x12200] =	vst v63  }
0xdd: {  	v3 =	vld [tilespmem:$0x130];
	_ =	sdelay $0x4  }
0xde: {  	v59 =	vshrl.u32 v3, $0x3  }
0xdf: {  	v4 =	vmul.u32 $0x18, v59  }
0xe0: {  	v3 =	vand.u32 $0x7, v3  }
0xe1: {  	v3 =	vor.u32 v3, v4  }
0xe2: {  	v4 =	vperm.xlane v3, v0;
	_ =	sdelay $0x1  }
0xe3: {  	v4 =	vadd.s32 v1, v4;
	_ =	sdelay $0x1  }
0xe4: {  	s26 =	sld [smem:$0x7FD];
	v3 =	vperm.xlane v3, v2;
	_ =	sdelay $0x1  }
0xe5: {  	v3 =	vadd.s32 v1, v3  }
0xe6: {  	[tilespmem:s26], [sflag:$0x3] =	stream.indirect_vreg.gather [hbm4b:s4+s2], $0x80, v4, vm0, $0xb8;
	[tilespmem:$0x12200] =	vst v63  }
0xe7: {  	s26 =	simm.s32 $0x11200  }
0xe8: {  	[tilespmem:s26], [sflag:$0x3] =	stream.indirect_vreg.gather [hbm4b:s5+s2], $0x80, v4, vm1, $0xb8;
	[tilespmem:$0x12200] =	vst v63  }
0xe9: {  	_ = 	snop  }
0xea: {  	[tilespmem:s28], [sflag:$0x3] =	stream.indirect_vreg.gather [hbm4b:s4+s2], $0x80, v3, vm0, $0xb8;
	[tilespmem:$0x12200] =	vst v63  }
0xeb: {  	_ = 	snop  }
0xec: {  	[tilespmem:s29], [sflag:$0x3] =	stream.indirect_vreg.gather [hbm4b:s5+s2], $0x80, v3, vm1, $0xb8;
	[tilespmem:$0x12200] =	vst v63  }
0xed: {  	_ =	swait.ge [sflag:s30], $0x6000  }
0xee: {  	[sflag:s30] =	ssyncset.done $0x0  }
0xef: {  	[sflag:s30] =	ssyncadd.s32 $0xFFFFA000  }
0xf0: {  	[hbm4b:s3+s2] =	stream.linear.scatter [tilespmem:s8], [sflag:$0x4], $0x6000, $0x38;
	[tilespmem:$0x12200] =	vst v63  }
0xf1: {  	_ =	swait.ge [sflag:s7], $0x6000  }
0xf2: {  	[sflag:s7] =	ssyncset.done $0x0  }
0xf3: {  	[sflag:s7] =	ssyncadd.s32 $0xFFFFA000  }
0xf4: {  	v3 =	vld [tilespmem:$0x180];
	_ =	sdelay $0x4  }
0xf5: {  	v60 =	vshrl.u32 v3, $0x3  }
0xf6: {  	v4 =	vmul.u32 $0x18, v60  }
0xf7: {  	v3 =	vand.u32 $0x7, v3  }
0xf8: {  	v3 =	vor.u32 v3, v4  }
0xf9: {  	v4 =	vperm.xlane v3, v0;
	_ =	sdelay $0x1  }
0xfa: {  	v4 =	vadd.s32 v1, v4;
	_ =	sdelay $0x1  }
0xfb: {  	v3 =	vperm.xlane v3, v2;
	_ =	sdelay $0x1  }
0xfc: {  	v3 =	vadd.s32 v1, v3  }
0xfd: {  	[tilespmem:s8], [sflag:$0x1] =	stream.indirect_vreg.gather [hbm4b:s4+s2], $0x80, v4, vm0, $0xb8;
	[tilespmem:$0x12200] =	vst v63  }
0xfe: {  	_ = 	snop  }
0xff: {  	[tilespmem:s9], [sflag:$0x1] =	stream.indirect_vreg.gather [hbm4b:s5+s2], $0x80, v4, vm1, $0xb8;
	[tilespmem:$0x12200] =	vst v63  }
0x100: {  	_ = 	snop  }
0x101: {  	[tilespmem:s10], [sflag:$0x1] =	stream.indirect_vreg.gather [hbm4b:s4+s2], $0x80, v3, vm0, $0xb8;
	[tilespmem:$0x12200] =	vst v63  }
0x102: {  	_ = 	snop  }
0x103: {  	[tilespmem:s11], [sflag:$0x1] =	stream.indirect_vreg.gather [hbm4b:s5+s2], $0x80, v3, vm1, $0xb8;
	[tilespmem:$0x12200] =	vst v63  }
0x104: {  	v3 =	vld [tilespmem:$0x190];
	_ =	sdelay $0x4  }
0x105: {  	v61 =	vshrl.u32 v3, $0x3  }
0x106: {  	v4 =	vmul.u32 $0x18, v61  }
0x107: {  	v3 =	vand.u32 $0x7, v3  }
0x108: {  	v3 =	vor.u32 v3, v4  }
0x109: {  	v4 =	vperm.xlane v3, v0;
	_ =	sdelay $0x1  }
0x10a: {  	v4 =	vadd.s32 v1, v4;
	_ =	sdelay $0x1  }
0x10b: {  	v3 =	vperm.xlane v3, v2;
	_ =	sdelay $0x1  }
0x10c: {  	v3 =	vadd.s32 v1, v3  }
0x10d: {  	[tilespmem:s12], [sflag:$0x1] =	stream.indirect_vreg.gather [hbm4b:s4+s2], $0x80, v4, vm0, $0xb8;
	[tilespmem:$0x12200] =	vst v63  }
0x10e: {  	_ = 	snop  }
0x10f: {  	[tilespmem:s13], [sflag:$0x1] =	stream.indirect_vreg.gather [hbm4b:s5+s2], $0x80, v4, vm1, $0xb8;
	[tilespmem:$0x12200] =	vst v63  }
0x110: {  	_ = 	snop  }
0x111: {  	[tilespmem:s14], [sflag:$0x1] =	stream.indirect_vreg.gather [hbm4b:s4+s2], $0x80, v3, vm0, $0xb8;
	[tilespmem:$0x12200] =	vst v63  }
0x112: {  	_ = 	snop  }
0x113: {  	[tilespmem:s15], [sflag:$0x1] =	stream.indirect_vreg.gather [hbm4b:s5+s2], $0x80, v3, vm1, $0xb8;
	[tilespmem:$0x12200] =	vst v63  }
0x114: {  	v3 =	vld [tilespmem:$0x1A0];
	_ =	sdelay $0x4  }
0x115: {  	v62 =	vshrl.u32 v3, $0x3  }
0x116: {  	v4 =	vmul.u32 $0x18, v62  }
0x117: {  	v3 =	vand.u32 $0x7, v3  }
0x118: {  	v3 =	vor.u32 v3, v4  }
0x119: {  	v4 =	vperm.xlane v3, v0;
	_ =	sdelay $0x1  }
0x11a: {  	v4 =	vadd.s32 v1, v4;
	_ =	sdelay $0x1  }
0x11b: {  	v3 =	vperm.xlane v3, v2;
	_ =	sdelay $0x1  }
0x11c: {  	v3 =	vadd.s32 v1, v3  }
0x11d: {  	[tilespmem:s16], [sflag:$0x1] =	stream.indirect_vreg.gather [hbm4b:s4+s2], $0x80, v4, vm0, $0xb8;
	[tilespmem:$0x12200] =	vst v63  }
0x11e: {  	_ = 	snop  }
0x11f: {  	[tilespmem:s17], [sflag:$0x1] =	stream.indirect_vreg.gather [hbm4b:s5+s2], $0x80, v4, vm1, $0xb8;
	[tilespmem:$0x12200] =	vst v63  }
0x120: {  	_ = 	snop  }
0x121: {  	[tilespmem:s18], [sflag:$0x1] =	stream.indirect_vreg.gather [hbm4b:s4+s2], $0x80, v3, vm0, $0xb8;
	[tilespmem:$0x12200] =	vst v63  }
0x122: {  	_ = 	snop  }
0x123: {  	[tilespmem:s19], [sflag:$0x1] =	stream.indirect_vreg.gather [hbm4b:s5+s2], $0x80, v3, vm1, $0xb8;
	[tilespmem:$0x12200] =	vst v63  }
0x124: {  	v3 =	vld [tilespmem:$0x1B0];
	_ =	sdelay $0x4  }
0x125: {  	v63 =	vshrl.u32 v3, $0x3  }
0x126: {  	v4 =	vmul.u32 $0x18, v63  }
0x127: {  	v3 =	vand.u32 $0x7, v3  }
0x128: {  	v3 =	vor.u32 v3, v4  }
0x129: {  	v4 =	vperm.xlane v3, v0;
	_ =	sdelay $0x1  }
0x12a: {  	v4 =	vadd.s32 v1, v4;
	_ =	sdelay $0x1  }
0x12b: {  	v3 =	vperm.xlane v3, v2;
	_ =	sdelay $0x1  }
0x12c: {  	v3 =	vadd.s32 v1, v3  }
0x12d: {  	[tilespmem:s20], [sflag:$0x1] =	stream.indirect_vreg.gather [hbm4b:s4+s2], $0x80, v4, vm0, $0xb8;
	[tilespmem:$0x12200] =	vst v63  }
0x12e: {  	_ = 	snop  }
0x12f: {  	[tilespmem:s21], [sflag:$0x1] =	stream.indirect_vreg.gather [hbm4b:s5+s2], $0x80, v4, vm1, $0xb8;
	[tilespmem:$0x12200] =	vst v63  }
0x130: {  	_ = 	snop  }
0x131: {  	[tilespmem:s22], [sflag:$0x1] =	stream.indirect_vreg.gather [hbm4b:s4+s2], $0x80, v3, vm0, $0xb8;
	[tilespmem:$0x12200] =	vst v63  }
0x132: {  	_ = 	snop  }
0x133: {  	[tilespmem:s23], [sflag:$0x1] =	stream.indirect_vreg.gather [hbm4b:s5+s2], $0x80, v3, vm1, $0xb8;
	[tilespmem:$0x12200] =	vst v63  }
0x134: {  	_ =	swait.ge [sflag:s31], $0x6000  }
0x135: {  	[sflag:s31] =	ssyncset.done $0x0  }
0x136: {  	s26 =	rddreg [dreg:$0x4];
	[sflag:s31] =	ssyncadd.s32 $0xFFFFA000  }
0x137: {  	[hbm4b:s26+s2] =	stream.linear.scatter [tilespmem:s24], [sflag:$0x4], $0x6000, $0x38;
	[tilespmem:$0x12200] =	vst v63  }
0x138: {  	_ =	swait.ge [sflag:s7], $0x6000  }
0x139: {  	[sflag:s7] =	ssyncset.done $0x0  }
0x13a: {  	[sflag:s7] =	ssyncadd.s32 $0xFFFFA000  }
0x13b: {  	_ =	swait.ge [sflag:s1], $0x6000  }
0x13c: {  	[sflag:s1] =	ssyncset.done $0x0  }
0x13d: {  	s26 =	rddreg [dreg:$0x5];
	[sflag:s1] =	ssyncadd.s32 $0xFFFFA000  }
0x13e: {  	[hbm4b:s26+s2] =	stream.linear.scatter [tilespmem:s25], [sflag:$0x4], $0x6000, $0x38;
	[tilespmem:$0x12200] =	vst v63  }
0x13f: {  	_ =	swait.ge [sflag:s7], $0x6000  }
0x140: {  	[sflag:s7] =	ssyncset.done $0x0  }
0x141: {  	[sflag:s7] =	ssyncadd.s32 $0xFFFFA000  }
0x142: {  	_ =	swait.ge [sflag:s30], $0x6000  }
0x143: {  	p0 =	sne.s32 s6, $0x1;
	[sflag:s30] =	ssyncset.done $0x0  }
.Ltmp0:
0x144: {  	s26 =	rddreg [dreg:$0x6];
	[sflag:s30] =	ssyncadd.s32 $0xFFFFA000;
	(pc) =	sbr.rel @p0 .LBB2_1-.Ltmp0, $4  }
0x145: {  	[hbm4b:s26+s2] =	stream.linear.scatter [tilespmem:s8], [sflag:$0x4], $0x6000, $0x38;
	[tilespmem:$0x12200] =	vst v63  }
0x146: {  	_ =	swait.ge [sflag:s7], $0x6000  }
0x147: {  	[sflag:s7] =	ssyncset.done $0x0  }
0x148: {  	s6 =	sadd.s32 $0xFFFFFFFF, s6;
	[sflag:s7] =	ssyncadd.s32 $0xFFFFA000  }
0x149: {  	_ =	sfence.sel $0x180000  }
0x14a: {  	[bflag:$0x0] =	sbarrier.arrive $0xFFFF  }
0x14b: {  	_ =	strace $0x90000047  }
0x14c: {  	s0 =	stileid.u32;
	[bflag:$0x2] =	sbarrier.arrive $0xFFFF  }
0x14d: {  	p0 =	sne.s32 s0, $0x0;
	s0 =	rddreg [dreg:$0x2]  }
0x14e: {  	s0 =	sadd.s32 @!p0 $0x100000, s0  }
0x14f: {  	[sflag:s0] =	ssyncadd.tile.s32 @!p0 $0x1;
	_ =	shalt  }
.Lfunc_end2:
_tile_overlayer_lowered:
.L_overlay_start_2:
0x150: {  	(tag) =	ssettag $0x2  }
0x151: {  	s0 =	rddreg [dreg:$0x0];
	s2 =	stileid.u32  }
0x152: {  	s1 =	rddreg [dreg:$0x1];
	p0 =	sne.s32 s2, $0x0  }
0x153: {  	s3 =	rddreg [dreg:$0x2];
	[bflag:$0x3] =	sbarrier.arrive $0xFFFF;
	s2 =	simm.s32 @!p0 $0x1C04  }
0x154: {  	[timem:s3], [sflag:s2] =	dma.local @!p0 [hbm:s0], s1  }
0x155: {  	s0 =	simm.s32 @!p0 $0x4  }
0x156: {  	_ =	swait.ge @!p0 [sflag:s0], s1  }
0x157: {  	s1 =	ssub.s32 @!p0 $0x0, s1;
	[sflag:s0] =	ssyncset.done @!p0 $0x0  }
0x158: {  	[sflag:s0] =	ssyncadd.s32 @!p0 s1  }
0x159: {  	[bflag:$0x3] =	sbarrier.arrive $0xFFFF  }
0x15a: {  	_ =	shalt  }

</sc_bundles>
